<compile_context>
chip_gen: v7x
topology: tpu7x:2x2x1
jax: 0.10.2.dev20260603
libtpu: 0.0.44.dev20260713+nightly
codegen_flags: <defaults>
</compile_context>

<pallas_src>
import functools

import jax
import jax.numpy as jnp
from jax import lax
from jax.experimental import pallas as pl
from jax.experimental.pallas import tpu as pltpu
from jax.experimental.pallas import tpu_sc as plsc

_NEG_POS_RATIO = 3
_INT_MIN = -2147483648
_N = 8732
_C = 81
_B = 32
_NP = 8832
_RB = 8
_NB = 384


def _phase1_body(logits_ref, bg_ref, lse_ref):
    x = logits_ref[...]
    lse = jnp.log(jnp.sum(jnp.exp(x), axis=2, keepdims=True))
    bg_ref[...] = (lse - x[:, :, 0:1])[:, :, 0]
    lse_ref[...] = lse[:, :, 0]


def _huber_body(pd_ref, gd_ref, lab4_ref, huber_ref):
    d = pd_ref[...] - gd_ref[...]
    ad = jnp.abs(d)
    hub = jnp.where(ad < 1.0, 0.5 * d * d, ad - 0.5)
    huber_ref[...] = jnp.sum(jnp.where(lab4_ref[...] > 0, hub, 0.0),
                             axis=(0, 1)).reshape(1, 1)


def _sc_gather_body(logits_hbm, labels_hbm, out_hbm,
                    lab_v, idx_v, vals_v, out_v):
    nc = 2
    b = lax.axis_index("s") * nc + lax.axis_index("c")
    pltpu.sync_copy(labels_hbm.at[b], lab_v)

    def build(j, carry):
        for l in range(8):
            off = j * 128 + l * 16
            lab16 = lab_v[pl.ds(off, 16)]
            n16 = lax.iota(jnp.int32, 16) + off
            idx16 = jnp.where(lab16 > 0,
                              (b * _N + n16) * _C + lab16,
                              jnp.zeros((16,), jnp.int32))
            idx_v[j, pl.ds(l * 16, 16)] = idx16
        return carry

    lax.fori_loop(0, _NP // 128, build, jnp.int32(0))

    def gather_sum(j, acc):
        pltpu.sync_copy(logits_hbm.at[idx_v.at[j]], vals_v)
        for l in range(8):
            off = j * 128 + l * 16
            lab16 = lab_v[pl.ds(off, 16)]
            v16 = vals_v[pl.ds(l * 16, 16)]
            acc = acc + jnp.where(lab16 > 0, v16, jnp.zeros((16,), jnp.float32))
        return acc

    acc = lax.fori_loop(0, _NP // 128, gather_sum,
                        jnp.zeros((16,), jnp.float32))
    out_v[...] = acc
    pltpu.sync_copy(out_v, out_hbm.at[b])


def _phase2_body(bg_ref, lse_ref, labels_ref, scpos_ref, huber_ref,
                 loc_ref, cls_ref):
    bg = bg_ref[...]
    lab = labels_ref[...]

    neg = lab == 0
    pos = lab > 0
    num_pos = jnp.sum(jnp.where(pos, 1, 0), axis=1, keepdims=True)
    negs = jnp.sum(jnp.where(neg, 1, 0), axis=1, keepdims=True)
    k = jnp.clip(num_pos * _NEG_POS_RATIO, 1, _N - 1)
    k_eff = jnp.minimum(k, negs)

    i = jax.lax.bitcast_convert_type(bg, jnp.int32)
    s = jnp.where(i >= 0, i, i ^ jnp.int32(0x7FFFFFFF))

    def cnt_ge(c):
        return jnp.sum(jnp.where(neg & (s >= c), 1, 0), axis=1, keepdims=True)

    base = jnp.where(cnt_ge(jnp.zeros_like(k_eff)) >= k_eff,
                     jnp.zeros_like(k_eff),
                     jnp.full(k_eff.shape, _INT_MIN, jnp.int32))

    def bit_step(it, v):
        bit = jnp.int32(1) << (30 - it)
        cand = base + v + bit
        return jnp.where(cnt_ge(cand) >= k_eff, v + bit, v)

    v = jax.lax.fori_loop(0, 31, bit_step, jnp.zeros_like(k_eff))
    thr = base + v
    ti = jnp.where(thr >= 0, thr, thr ^ jnp.int32(0x7FFFFFFF))
    t = jax.lax.bitcast_convert_type(ti, jnp.float32)

    gt_mask = neg & (s > thr)
    cnt_gt = jnp.sum(jnp.where(gt_mask, 1, 0), axis=1, keepdims=True)
    sum_gt = jnp.sum(jnp.where(gt_mask, bg, 0.0), axis=1, keepdims=True)
    sum_all_neg = jnp.sum(jnp.where(neg, bg, 0.0), axis=1, keepdims=True)

    take_all = k_eff >= negs
    row_neg = jnp.where(take_all, sum_all_neg,
                        sum_gt + (k_eff - cnt_gt).astype(jnp.float32) *
                        jnp.where(take_all, 0.0, t))

    poslse = jnp.sum(jnp.where(pos, lse_ref[...], 0.0),
                     axis=(0, 1), keepdims=True)
    gsum = jnp.sum(scpos_ref[...], axis=(0, 1), keepdims=True)
    cls = jnp.sum(row_neg, axis=(0, 1), keepdims=True) + poslse - gsum
    np_tot = jnp.maximum(jnp.sum(num_pos), 1).astype(jnp.float32)
    loc_ref[...] = huber_ref[...] / np_tot
    cls_ref[...] = cls / np_tot


@jax.jit
def kernel(pred_deltas, pred_logits, gt_deltas, gt_labels):
    B, N, C = pred_logits.shape
    labels_p = jnp.pad(gt_labels, ((0, 0), (0, _NP - N)), constant_values=-1)
    lab4 = jnp.repeat(gt_labels, 4, axis=1)
    pd2 = pred_deltas.reshape(B, 4 * N)
    gd2 = gt_deltas.reshape(B, 4 * N)
    logits_flat = pred_logits.reshape(B * N * C)

    gb, gn = B // _RB, _NP // _NB

    bg, lse = pl.pallas_call(
        _phase1_body,
        grid=(gb, gn),
        in_specs=[
            pl.BlockSpec((_RB, _NB, C), lambda b, n: (b, n, 0)),
        ],
        out_specs=[
            pl.BlockSpec((_RB, _NB), lambda b, n: (b, n)),
            pl.BlockSpec((_RB, _NB), lambda b, n: (b, n)),
        ],
        out_shape=[
            jax.ShapeDtypeStruct((B, _NP), jnp.float32),
            jax.ShapeDtypeStruct((B, _NP), jnp.float32),
        ],
    )(pred_logits)

    sc_gather = pl.kernel(
        _sc_gather_body,
        out_type=jax.ShapeDtypeStruct((_B, 16), jnp.float32),
        mesh=plsc.VectorSubcoreMesh(core_axis_name="c", subcore_axis_name="s"),
        scratch_types=[
            pltpu.VMEM((_NP,), jnp.int32),
            pltpu.VMEM((_NP // 128, 128), jnp.int32),
            pltpu.VMEM((128,), jnp.float32),
            pltpu.VMEM((16,), jnp.float32),
        ],
    )
    scpos = sc_gather(logits_flat, labels_p)

    huber = pl.pallas_call(
        _huber_body,
        out_shape=jax.ShapeDtypeStruct((1, 1), jnp.float32),
    )(pd2, gd2, lab4)

    loc, cls = pl.pallas_call(
        _phase2_body,
        out_shape=[
            jax.ShapeDtypeStruct((1, 1), jnp.float32),
            jax.ShapeDtypeStruct((1, 1), jnp.float32),
        ],
    )(bg, lse, labels_p, scpos, huber)

    return (loc[0, 0], cls[0, 0])

# --- scband reference (transcript-rebuilt; emitter-appended) ---
"""Pipeline reference for scband-ssdloss-74483322847974 (READ-ONLY COPY).

The authoritative reference and input builder live on the scoring server;
editing this copy changes nothing except your own understanding.
"""

import jax, jax.numpy as jnp
import numpy as np

NEG_POS_RATIO = 3


def setup_inputs(seed: int = 0) -> dict:
    key = jax.random.key(seed)
    k1, k2, k3, k4 = jax.random.split(key, 4)
    B, N, C = 32, 8732, 81
    return {
        "pred_deltas": jax.random.normal(k1, (B, N, 4), dtype=jnp.float32),
        "pred_logits": jax.random.normal(k2, (B, N, C), dtype=jnp.float32),
        "gt_deltas": jax.random.normal(k3, (B, N, 4), dtype=jnp.float32),
        "gt_labels": jax.random.randint(k4, (B, N), 0, 81, dtype=jnp.int32),
    }


def _hard_negative_mining(bg_loss, labels, neg_pos_ratio):
    # bg_loss: [B, N] background NLL; labels: [B, N] int
    N = labels.shape[1]
    pos_mask = labels > 0
    num_pos = jnp.sum(pos_mask.astype(jnp.int32), axis=1, keepdims=True)
    num_neg = jnp.clip(num_pos * neg_pos_ratio, 1, N - 1)
    bg = jnp.where(pos_mask, -jnp.inf, bg_loss)
    # descending sort: argsort of negated values (ascending)
    idx = jnp.argsort(-bg, axis=1)
    rank = jnp.argsort(idx, axis=1)
    neg_mask = rank < num_neg
    return pos_mask | neg_mask


def reference(pred_deltas, pred_logits, gt_deltas, gt_labels):
    neg_pos_ratio = NEG_POS_RATIO
    B, N, C = pred_logits.shape
    logsm = jax.nn.log_softmax(pred_logits, axis=2)
    # mining under no_grad: mask is int/bool, no gradient flows through it
    bg_loss = -jax.lax.stop_gradient(logsm)[:, :, 0]
    mask = _hard_negative_mining(bg_loss, gt_labels, neg_pos_ratio)
    mask = jax.lax.stop_gradient(mask)

    # cross_entropy(pred_logits[mask], gt_labels[mask], reduction='sum')
    nll = -jnp.take_along_axis(logsm, gt_labels[..., None].astype(jnp.int32), axis=2)[..., 0]
    cls_loss = jnp.sum(jnp.where(mask, nll, 0.0))

    # smooth_l1_loss(pred_deltas[pos], gt_deltas[pos], reduction='sum'), beta=1.0
    pos_mask = gt_labels > 0
    d = pred_deltas - gt_deltas
    ad = jnp.abs(d)
    huber = jnp.where(ad < 1.0, 0.5 * d * d, ad - 0.5)
    loc_loss = jnp.sum(jnp.where(pos_mask[..., None], huber, 0.0))

    num_pos = jnp.sum(pos_mask.astype(jnp.int32))
    num_pos = jnp.maximum(num_pos, 1).astype(jnp.float32)
    return (loc_loss / num_pos, cls_loss / num_pos)

if __name__ == "__main__":
    import jax
    _d = setup_inputs()
    print(jax.jit(kernel)(*tuple(_d.values())))

</pallas_src>

<mosaic_0001>
#map = affine_map<(d0, d1) -> (0)>
#map1 = affine_map<(d0, d1) -> (0, 0)>
module attributes {stable_mosaic.version = 14 : i64} {
  func.func @_sc_gather_body(%arg0: i32, %arg1: i32, %arg2: memref<22633344xf32, #tpu.memory_space<hbm>>, %arg3: memref<32x8832xi32, #tpu.memory_space<hbm>>, %arg4: memref<32x16xf32, #tpu.memory_space<hbm>>, %arg5: memref<8832xi32, #tpu.memory_space<vmem>>, %arg6: memref<69x128xi32, #tpu.memory_space<vmem>>, %arg7: memref<128xf32, #tpu.memory_space<vmem>>, %arg8: memref<16xf32, #tpu.memory_space<vmem>>) attributes {dimension_semantics = [#tpu.dimension_semantics<core_parallel>, #tpu.dimension_semantics<subcore_parallel>], iteration_bounds = array<i64: 2, 16>, scalar_prefetch = 0 : i64, scratch_operands = 4 : i64, tpu.core_type = #tpu.core_type<sc_vector_subcore>, window_params = [{transform_indices = #map}, {transform_indices = #map1}, {transform_indices = #map1}]} {
    %mul3A = arith.constant 2 : i32
    %mul3A_0 = arith.muli %arg1, %mul3A : i32
    %add3A = arith.addi %mul3A_0, %arg0 : i32
    "tpu.region"() ({
      %run_scoped3A = tpu.sem_alloc : memref<!tpu.dma_semaphore, #tpu.memory_space<semaphore_mem>>
      %dma_start3A = arith.constant 0 : i32
      %dma_start3A_16 = tpu.memref_slice %arg3[%add3A, %dma_start3A] : memref<32x8832xi32, #tpu.memory_space<hbm>> -> memref<1x8832xi32, #tpu.memory_space<hbm>>
      %dma_start3A_17 = tpu.memref_squeeze %dma_start3A_16 : memref<1x8832xi32, #tpu.memory_space<hbm>> -> memref<8832xi32, #tpu.memory_space<hbm>>
      %dma_start3A_18 = arith.constant 0 : i32
      %dma_start3A_19 = tpu.memref_slice %arg3[%add3A, %dma_start3A_18] : memref<32x8832xi32, #tpu.memory_space<hbm>> -> memref<1x8832xi32, #tpu.memory_space<hbm>>
      %dma_start3A_20 = tpu.memref_squeeze %dma_start3A_19 : memref<1x8832xi32, #tpu.memory_space<hbm>> -> memref<8832xi32, #tpu.memory_space<hbm>>
      tpu.enqueue_dma source(%dma_start3A_20 : memref<8832xi32, #tpu.memory_space<hbm>>) target(%arg5 : memref<8832xi32, #tpu.memory_space<vmem>>) target_semaphore(%run_scoped3A : memref<!tpu.dma_semaphore, #tpu.memory_space<semaphore_mem>>)
      %dma_wait3A = arith.constant 0 : i32
      %dma_wait3A_21 = tpu.memref_slice %arg3[%add3A, %dma_wait3A] : memref<32x8832xi32, #tpu.memory_space<hbm>> -> memref<1x8832xi32, #tpu.memory_space<hbm>>
      %dma_wait3A_22 = tpu.memref_squeeze %dma_wait3A_21 : memref<1x8832xi32, #tpu.memory_space<hbm>> -> memref<8832xi32, #tpu.memory_space<hbm>>
      %dma_wait3A_23 = arith.constant 0 : i32
      %dma_wait3A_24 = tpu.memref_slice %arg3[%add3A, %dma_wait3A_23] : memref<32x8832xi32, #tpu.memory_space<hbm>> -> memref<1x8832xi32, #tpu.memory_space<hbm>>
      %dma_wait3A_25 = tpu.memref_squeeze %dma_wait3A_24 : memref<1x8832xi32, #tpu.memory_space<hbm>> -> memref<8832xi32, #tpu.memory_space<hbm>>
      tpu.wait_dma2 semaphore(%run_scoped3A : memref<!tpu.dma_semaphore, #tpu.memory_space<semaphore_mem>>) src(%dma_wait3A_25 : memref<8832xi32, #tpu.memory_space<hbm>>) dst(%arg5 : memref<8832xi32, #tpu.memory_space<vmem>>)
      tpu.yield
    }) : () -> ()
    %scan3A = arith.constant 0 : i32
    %scan3A_1 = arith.constant 0 : i32
    %scan3A_2 = arith.constant 69 : i32
    %scan3A_3 = arith.addi %scan3A_1, %scan3A_2 : i32
    %scan3A_4 = arith.constant 1 : i32
    scf.for %scan3A_16 = %scan3A_1 to %scan3A_3 step %scan3A_4  : i32 {
      %mul3A_17 = arith.constant 128 : i32
      %mul3A_18 = arith.muli %scan3A_16, %mul3A_17 : i32
      %add3A_19 = arith.constant 0 : i32
      %add3A_20 = arith.addi %mul3A_18, %add3A_19 : i32
      %get3A = arith.index_cast %add3A_20 : i32 to index
      %get3A_21 = tpu.vector_load %arg5[%get3A] {strides = array<i32>} : memref<8832xi32, #tpu.memory_space<vmem>>, vector<16xi32>,
      %get3A_22 = vector.shape_cast %get3A_21 : vector<16xi32> to vector<16xi32>
      %iota3A = tpu.iota {dimensions = array<i32: 0>} : vector<16xi32>
      %add3A_23 = vector.broadcast %add3A_20 : i32 to vector<16xi32>
      %add3A_24 = arith.addi %iota3A, %add3A_23 : vector<16xi32>
      %gt3A = arith.constant 0 : i32
      %gt3A_25 = vector.broadcast %gt3A : i32 to vector<16xi32>
      %gt3A_26 = arith.cmpi sgt, %get3A_22, %gt3A_25 : vector<16xi32>
      %mul3A_27 = arith.constant 8732 : i32
      %mul3A_28 = arith.muli %add3A, %mul3A_27 : i32
      %add3A_29 = vector.broadcast %mul3A_28 : i32 to vector<16xi32>
      %add3A_30 = arith.addi %add3A_29, %add3A_24 : vector<16xi32>
      %mul3A_31 = arith.constant 81 : i32
      %mul3A_32 = vector.broadcast %mul3A_31 : i32 to vector<16xi32>
      %mul3A_33 = arith.muli %add3A_30, %mul3A_32 : vector<16xi32>
      %add3A_34 = arith.addi %mul3A_33, %get3A_22 : vector<16xi32>
      %broadcast_in_dim3A_35 = arith.constant 0 : i32
      %broadcast_in_dim3A_36 = vector.broadcast %broadcast_in_dim3A_35 : i32 to vector<16xi32>
      %select_n3A = arith.select %gt3A_26, %add3A_34, %broadcast_in_dim3A_36 : vector<16xi1>, vector<16xi32>
      %swap3A_37 = arith.index_cast %scan3A_16 : i32 to index
      %swap3A_38 = arith.constant 0 : index
      %swap3A_39 = tpu.vector_load %arg6[%swap3A_37, %swap3A_38] {strides = array<i32>} : memref<69x128xi32, #tpu.memory_space<vmem>>, vector<1x16xi32>,
      %swap3A_40 = vector.shape_cast %swap3A_39 : vector<1x16xi32> to vector<16xi32>
      %swap3A_41 = vector.shape_cast %select_n3A : vector<16xi32> to vector<1x16xi32>
      tpu.vector_store %arg6[%swap3A_37, %swap3A_38], %swap3A_41 {strides = array<i32>} : memref<69x128xi32, #tpu.memory_space<vmem>>, vector<1x16xi32>,
      %mul3A_42 = arith.constant 128 : i32
      %mul3A_43 = arith.muli %scan3A_16, %mul3A_42 : i32
      %add3A_44 = arith.constant 16 : i32
      %add3A_45 = arith.addi %mul3A_43, %add3A_44 : i32
      %get3A_46 = arith.index_cast %add3A_45 : i32 to index
      %get3A_47 = tpu.vector_load %arg5[%get3A_46] {strides = array<i32>} : memref<8832xi32, #tpu.memory_space<vmem>>, vector<16xi32>,
      %get3A_48 = vector.shape_cast %get3A_47 : vector<16xi32> to vector<16xi32>
      %iota3A_49 = tpu.iota {dimensions = array<i32: 0>} : vector<16xi32>
      %add3A_50 = vector.broadcast %add3A_45 : i32 to vector<16xi32>
      %add3A_51 = arith.addi %iota3A_49, %add3A_50 : vector<16xi32>
      %gt3A_52 = arith.constant 0 : i32
      %gt3A_53 = vector.broadcast %gt3A_52 : i32 to vector<16xi32>
      %gt3A_54 = arith.cmpi sgt, %get3A_48, %gt3A_53 : vector<16xi32>
      %mul3A_55 = arith.constant 8732 : i32
      %mul3A_56 = arith.muli %add3A, %mul3A_55 : i32
      %add3A_57 = vector.broadcast %mul3A_56 : i32 to vector<16xi32>
      %add3A_58 = arith.addi %add3A_57, %add3A_51 : vector<16xi32>
      %mul3A_59 = arith.constant 81 : i32
      %mul3A_60 = vector.broadcast %mul3A_59 : i32 to vector<16xi32>
      %mul3A_61 = arith.muli %add3A_58, %mul3A_60 : vector<16xi32>
      %add3A_62 = arith.addi %mul3A_61, %get3A_48 : vector<16xi32>
      %broadcast_in_dim3A_63 = arith.constant 0 : i32
      %broadcast_in_dim3A_64 = vector.broadcast %broadcast_in_dim3A_63 : i32 to vector<16xi32>
      %select_n3A_65 = arith.select %gt3A_54, %add3A_62, %broadcast_in_dim3A_64 : vector<16xi1>, vector<16xi32>
      %swap3A_66 = arith.index_cast %scan3A_16 : i32 to index
      %swap3A_67 = arith.constant 16 : index
      %swap3A_68 = tpu.vector_load %arg6[%swap3A_66, %swap3A_67] {strides = array<i32>} : memref<69x128xi32, #tpu.memory_space<vmem>>, vector<1x16xi32>,
      %swap3A_69 = vector.shape_cast %swap3A_68 : vector<1x16xi32> to vector<16xi32>
      %swap3A_70 = vector.shape_cast %select_n3A_65 : vector<16xi32> to vector<1x16xi32>
      tpu.vector_store %arg6[%swap3A_66, %swap3A_67], %swap3A_70 {strides = array<i32>} : memref<69x128xi32, #tpu.memory_space<vmem>>, vector<1x16xi32>,
      %mul3A_71 = arith.constant 128 : i32
      %mul3A_72 = arith.muli %scan3A_16, %mul3A_71 : i32
      %add3A_73 = arith.constant 32 : i32
      %add3A_74 = arith.addi %mul3A_72, %add3A_73 : i32
      %get3A_75 = arith.index_cast %add3A_74 : i32 to index
      %get3A_76 = tpu.vector_load %arg5[%get3A_75] {strides = array<i32>} : memref<8832xi32, #tpu.memory_space<vmem>>, vector<16xi32>,
      %get3A_77 = vector.shape_cast %get3A_76 : vector<16xi32> to vector<16xi32>
      %iota3A_78 = tpu.iota {dimensions = array<i32: 0>} : vector<16xi32>
      %add3A_79 = vector.broadcast %add3A_74 : i32 to vector<16xi32>
      %add3A_80 = arith.addi %iota3A_78, %add3A_79 : vector<16xi32>
      %gt3A_81 = arith.constant 0 : i32
      %gt3A_82 = vector.broadcast %gt3A_81 : i32 to vector<16xi32>
      %gt3A_83 = arith.cmpi sgt, %get3A_77, %gt3A_82 : vector<16xi32>
      %mul3A_84 = arith.constant 8732 : i32
      %mul3A_85 = arith.muli %add3A, %mul3A_84 : i32
      %add3A_86 = vector.broadcast %mul3A_85 : i32 to vector<16xi32>
      %add3A_87 = arith.addi %add3A_86, %add3A_80 : vector<16xi32>
      %mul3A_88 = arith.constant 81 : i32
      %mul3A_89 = vector.broadcast %mul3A_88 : i32 to vector<16xi32>
      %mul3A_90 = arith.muli %add3A_87, %mul3A_89 : vector<16xi32>
      %add3A_91 = arith.addi %mul3A_90, %get3A_77 : vector<16xi32>
      %broadcast_in_dim3A_92 = arith.constant 0 : i32
      %broadcast_in_dim3A_93 = vector.broadcast %broadcast_in_dim3A_92 : i32 to vector<16xi32>
      %select_n3A_94 = arith.select %gt3A_83, %add3A_91, %broadcast_in_dim3A_93 : vector<16xi1>, vector<16xi32>
      %swap3A_95 = arith.index_cast %scan3A_16 : i32 to index
      %swap3A_96 = arith.constant 32 : index
      %swap3A_97 = tpu.vector_load %arg6[%swap3A_95, %swap3A_96] {strides = array<i32>} : memref<69x128xi32, #tpu.memory_space<vmem>>, vector<1x16xi32>,
      %swap3A_98 = vector.shape_cast %swap3A_97 : vector<1x16xi32> to vector<16xi32>
      %swap3A_99 = vector.shape_cast %select_n3A_94 : vector<16xi32> to vector<1x16xi32>
      tpu.vector_store %arg6[%swap3A_95, %swap3A_96], %swap3A_99 {strides = array<i32>} : memref<69x128xi32, #tpu.memory_space<vmem>>, vector<1x16xi32>,
      %mul3A_100 = arith.constant 128 : i32
      %mul3A_101 = arith.muli %scan3A_16, %mul3A_100 : i32
      %add3A_102 = arith.constant 48 : i32
      %add3A_103 = arith.addi %mul3A_101, %add3A_102 : i32
      %get3A_104 = arith.index_cast %add3A_103 : i32 to index
      %get3A_105 = tpu.vector_load %arg5[%get3A_104] {strides = array<i32>} : memref<8832xi32, #tpu.memory_space<vmem>>, vector<16xi32>,
      %get3A_106 = vector.shape_cast %get3A_105 : vector<16xi32> to vector<16xi32>
      %iota3A_107 = tpu.iota {dimensions = array<i32: 0>} : vector<16xi32>
      %add3A_108 = vector.broadcast %add3A_103 : i32 to vector<16xi32>
      %add3A_109 = arith.addi %iota3A_107, %add3A_108 : vector<16xi32>
      %gt3A_110 = arith.constant 0 : i32
      %gt3A_111 = vector.broadcast %gt3A_110 : i32 to vector<16xi32>
      %gt3A_112 = arith.cmpi sgt, %get3A_106, %gt3A_111 : vector<16xi32>
      %mul3A_113 = arith.constant 8732 : i32
      %mul3A_114 = arith.muli %add3A, %mul3A_113 : i32
      %add3A_115 = vector.broadcast %mul3A_114 : i32 to vector<16xi32>
      %add3A_116 = arith.addi %add3A_115, %add3A_109 : vector<16xi32>
      %mul3A_117 = arith.constant 81 : i32
      %mul3A_118 = vector.broadcast %mul3A_117 : i32 to vector<16xi32>
      %mul3A_119 = arith.muli %add3A_116, %mul3A_118 : vector<16xi32>
      %add3A_120 = arith.addi %mul3A_119, %get3A_106 : vector<16xi32>
      %broadcast_in_dim3A_121 = arith.constant 0 : i32
      %broadcast_in_dim3A_122 = vector.broadcast %broadcast_in_dim3A_121 : i32 to vector<16xi32>
      %select_n3A_123 = arith.select %gt3A_112, %add3A_120, %broadcast_in_dim3A_122 : vector<16xi1>, vector<16xi32>
      %swap3A_124 = arith.index_cast %scan3A_16 : i32 to index
      %swap3A_125 = arith.constant 48 : index
      %swap3A_126 = tpu.vector_load %arg6[%swap3A_124, %swap3A_125] {strides = array<i32>} : memref<69x128xi32, #tpu.memory_space<vmem>>, vector<1x16xi32>,
      %swap3A_127 = vector.shape_cast %swap3A_126 : vector<1x16xi32> to vector<16xi32>
      %swap3A_128 = vector.shape_cast %select_n3A_123 : vector<16xi32> to vector<1x16xi32>
      tpu.vector_store %arg6[%swap3A_124, %swap3A_125], %swap3A_128 {strides = array<i32>} : memref<69x128xi32, #tpu.memory_space<vmem>>, vector<1x16xi32>,
      %mul3A_129 = arith.constant 128 : i32
      %mul3A_130 = arith.muli %scan3A_16, %mul3A_129 : i32
      %add3A_131 = arith.constant 64 : i32
      %add3A_132 = arith.addi %mul3A_130, %add3A_131 : i32
      %get3A_133 = arith.index_cast %add3A_132 : i32 to index
      %get3A_134 = tpu.vector_load %arg5[%get3A_133] {strides = array<i32>} : memref<8832xi32, #tpu.memory_space<vmem>>, vector<16xi32>,
      %get3A_135 = vector.shape_cast %get3A_134 : vector<16xi32> to vector<16xi32>
      %iota3A_136 = tpu.iota {dimensions = array<i32: 0>} : vector<16xi32>
      %add3A_137 = vector.broadcast %add3A_132 : i32 to vector<16xi32>
      %add3A_138 = arith.addi %iota3A_136, %add3A_137 : vector<16xi32>
      %gt3A_139 = arith.constant 0 : i32
      %gt3A_140 = vector.broadcast %gt3A_139 : i32 to vector<16xi32>
      %gt3A_141 = arith.cmpi sgt, %get3A_135, %gt3A_140 : vector<16xi32>
      %mul3A_142 = arith.constant 8732 : i32
      %mul3A_143 = arith.muli %add3A, %mul3A_142 : i32
      %add3A_144 = vector.broadcast %mul3A_143 : i32 to vector<16xi32>
      %add3A_145 = arith.addi %add3A_144, %add3A_138 : vector<16xi32>
      %mul3A_146 = arith.constant 81 : i32
      %mul3A_147 = vector.broadcast %mul3A_146 : i32 to vector<16xi32>
      %mul3A_148 = arith.muli %add3A_145, %mul3A_147 : vector<16xi32>
      %add3A_149 = arith.addi %mul3A_148, %get3A_135 : vector<16xi32>
      %broadcast_in_dim3A_150 = arith.constant 0 : i32
      %broadcast_in_dim3A_151 = vector.broadcast %broadcast_in_dim3A_150 : i32 to vector<16xi32>
      %select_n3A_152 = arith.select %gt3A_141, %add3A_149, %broadcast_in_dim3A_151 : vector<16xi1>, vector<16xi32>
      %swap3A_153 = arith.index_cast %scan3A_16 : i32 to index
      %swap3A_154 = arith.constant 64 : index
      %swap3A_155 = tpu.vector_load %arg6[%swap3A_153, %swap3A_154] {strides = array<i32>} : memref<69x128xi32, #tpu.memory_space<vmem>>, vector<1x16xi32>,
      %swap3A_156 = vector.shape_cast %swap3A_155 : vector<1x16xi32> to vector<16xi32>
      %swap3A_157 = vector.shape_cast %select_n3A_152 : vector<16xi32> to vector<1x16xi32>
      tpu.vector_store %arg6[%swap3A_153, %swap3A_154], %swap3A_157 {strides = array<i32>} : memref<69x128xi32, #tpu.memory_space<vmem>>, vector<1x16xi32>,
      %mul3A_158 = arith.constant 128 : i32
      %mul3A_159 = arith.muli %scan3A_16, %mul3A_158 : i32
      %add3A_160 = arith.constant 80 : i32
      %add3A_161 = arith.addi %mul3A_159, %add3A_160 : i32
      %get3A_162 = arith.index_cast %add3A_161 : i32 to index
      %get3A_163 = tpu.vector_load %arg5[%get3A_162] {strides = array<i32>} : memref<8832xi32, #tpu.memory_space<vmem>>, vector<16xi32>,
      %get3A_164 = vector.shape_cast %get3A_163 : vector<16xi32> to vector<16xi32>
      %iota3A_165 = tpu.iota {dimensions = array<i32: 0>} : vector<16xi32>
      %add3A_166 = vector.broadcast %add3A_161 : i32 to vector<16xi32>
      %add3A_167 = arith.addi %iota3A_165, %add3A_166 : vector<16xi32>
      %gt3A_168 = arith.constant 0 : i32
      %gt3A_169 = vector.broadcast %gt3A_168 : i32 to vector<16xi32>
      %gt3A_170 = arith.cmpi sgt, %get3A_164, %gt3A_169 : vector<16xi32>
      %mul3A_171 = arith.constant 8732 : i32
      %mul3A_172 = arith.muli %add3A, %mul3A_171 : i32
      %add3A_173 = vector.broadcast %mul3A_172 : i32 to vector<16xi32>
      %add3A_174 = arith.addi %add3A_173, %add3A_167 : vector<16xi32>
      %mul3A_175 = arith.constant 81 : i32
      %mul3A_176 = vector.broadcast %mul3A_175 : i32 to vector<16xi32>
      %mul3A_177 = arith.muli %add3A_174, %mul3A_176 : vector<16xi32>
      %add3A_178 = arith.addi %mul3A_177, %get3A_164 : vector<16xi32>
      %broadcast_in_dim3A_179 = arith.constant 0 : i32
      %broadcast_in_dim3A_180 = vector.broadcast %broadcast_in_dim3A_179 : i32 to vector<16xi32>
      %select_n3A_181 = arith.select %gt3A_170, %add3A_178, %broadcast_in_dim3A_180 : vector<16xi1>, vector<16xi32>
      %swap3A_182 = arith.index_cast %scan3A_16 : i32 to index
      %swap3A_183 = arith.constant 80 : index
      %swap3A_184 = tpu.vector_load %arg6[%swap3A_182, %swap3A_183] {strides = array<i32>} : memref<69x128xi32, #tpu.memory_space<vmem>>, vector<1x16xi32>,
      %swap3A_185 = vector.shape_cast %swap3A_184 : vector<1x16xi32> to vector<16xi32>
      %swap3A_186 = vector.shape_cast %select_n3A_181 : vector<16xi32> to vector<1x16xi32>
      tpu.vector_store %arg6[%swap3A_182, %swap3A_183], %swap3A_186 {strides = array<i32>} : memref<69x128xi32, #tpu.memory_space<vmem>>, vector<1x16xi32>,
      %mul3A_187 = arith.constant 128 : i32
      %mul3A_188 = arith.muli %scan3A_16, %mul3A_187 : i32
      %add3A_189 = arith.constant 96 : i32
      %add3A_190 = arith.addi %mul3A_188, %add3A_189 : i32
      %get3A_191 = arith.index_cast %add3A_190 : i32 to index
      %get3A_192 = tpu.vector_load %arg5[%get3A_191] {strides = array<i32>} : memref<8832xi32, #tpu.memory_space<vmem>>, vector<16xi32>,
      %get3A_193 = vector.shape_cast %get3A_192 : vector<16xi32> to vector<16xi32>
      %iota3A_194 = tpu.iota {dimensions = array<i32: 0>} : vector<16xi32>
      %add3A_195 = vector.broadcast %add3A_190 : i32 to vector<16xi32>
      %add3A_196 = arith.addi %iota3A_194, %add3A_195 : vector<16xi32>
      %gt3A_197 = arith.constant 0 : i32
      %gt3A_198 = vector.broadcast %gt3A_197 : i32 to vector<16xi32>
      %gt3A_199 = arith.cmpi sgt, %get3A_193, %gt3A_198 : vector<16xi32>
      %mul3A_200 = arith.constant 8732 : i32
      %mul3A_201 = arith.muli %add3A, %mul3A_200 : i32
      %add3A_202 = vector.broadcast %mul3A_201 : i32 to vector<16xi32>
      %add3A_203 = arith.addi %add3A_202, %add3A_196 : vector<16xi32>
      %mul3A_204 = arith.constant 81 : i32
      %mul3A_205 = vector.broadcast %mul3A_204 : i32 to vector<16xi32>
      %mul3A_206 = arith.muli %add3A_203, %mul3A_205 : vector<16xi32>
      %add3A_207 = arith.addi %mul3A_206, %get3A_193 : vector<16xi32>
      %broadcast_in_dim3A_208 = arith.constant 0 : i32
      %broadcast_in_dim3A_209 = vector.broadcast %broadcast_in_dim3A_208 : i32 to vector<16xi32>
      %select_n3A_210 = arith.select %gt3A_199, %add3A_207, %broadcast_in_dim3A_209 : vector<16xi1>, vector<16xi32>
      %swap3A_211 = arith.index_cast %scan3A_16 : i32 to index
      %swap3A_212 = arith.constant 96 : index
      %swap3A_213 = tpu.vector_load %arg6[%swap3A_211, %swap3A_212] {strides = array<i32>} : memref<69x128xi32, #tpu.memory_space<vmem>>, vector<1x16xi32>,
      %swap3A_214 = vector.shape_cast %swap3A_213 : vector<1x16xi32> to vector<16xi32>
      %swap3A_215 = vector.shape_cast %select_n3A_210 : vector<16xi32> to vector<1x16xi32>
      tpu.vector_store %arg6[%swap3A_211, %swap3A_212], %swap3A_215 {strides = array<i32>} : memref<69x128xi32, #tpu.memory_space<vmem>>, vector<1x16xi32>,
      %mul3A_216 = arith.constant 128 : i32
      %mul3A_217 = arith.muli %scan3A_16, %mul3A_216 : i32
      %add3A_218 = arith.constant 112 : i32
      %add3A_219 = arith.addi %mul3A_217, %add3A_218 : i32
      %get3A_220 = arith.index_cast %add3A_219 : i32 to index
      %get3A_221 = tpu.vector_load %arg5[%get3A_220] {strides = array<i32>} : memref<8832xi32, #tpu.memory_space<vmem>>, vector<16xi32>,
      %get3A_222 = vector.shape_cast %get3A_221 : vector<16xi32> to vector<16xi32>
      %iota3A_223 = tpu.iota {dimensions = array<i32: 0>} : vector<16xi32>
      %add3A_224 = vector.broadcast %add3A_219 : i32 to vector<16xi32>
      %add3A_225 = arith.addi %iota3A_223, %add3A_224 : vector<16xi32>
      %gt3A_226 = arith.constant 0 : i32
      %gt3A_227 = vector.broadcast %gt3A_226 : i32 to vector<16xi32>
      %gt3A_228 = arith.cmpi sgt, %get3A_222, %gt3A_227 : vector<16xi32>
      %mul3A_229 = arith.constant 8732 : i32
      %mul3A_230 = arith.muli %add3A, %mul3A_229 : i32
      %add3A_231 = vector.broadcast %mul3A_230 : i32 to vector<16xi32>
      %add3A_232 = arith.addi %add3A_231, %add3A_225 : vector<16xi32>
      %mul3A_233 = arith.constant 81 : i32
      %mul3A_234 = vector.broadcast %mul3A_233 : i32 to vector<16xi32>
      %mul3A_235 = arith.muli %add3A_232, %mul3A_234 : vector<16xi32>
      %add3A_236 = arith.addi %mul3A_235, %get3A_222 : vector<16xi32>
      %broadcast_in_dim3A_237 = arith.constant 0 : i32
      %broadcast_in_dim3A_238 = vector.broadcast %broadcast_in_dim3A_237 : i32 to vector<16xi32>
      %select_n3A_239 = arith.select %gt3A_228, %add3A_236, %broadcast_in_dim3A_238 : vector<16xi1>, vector<16xi32>
      %swap3A_240 = arith.index_cast %scan3A_16 : i32 to index
      %swap3A_241 = arith.constant 112 : index
      %swap3A_242 = tpu.vector_load %arg6[%swap3A_240, %swap3A_241] {strides = array<i32>} : memref<69x128xi32, #tpu.memory_space<vmem>>, vector<1x16xi32>,
      %swap3A_243 = vector.shape_cast %swap3A_242 : vector<1x16xi32> to vector<16xi32>
      %swap3A_244 = vector.shape_cast %select_n3A_239 : vector<16xi32> to vector<1x16xi32>
      tpu.vector_store %arg6[%swap3A_240, %swap3A_241], %swap3A_244 {strides = array<i32>} : memref<69x128xi32, #tpu.memory_space<vmem>>, vector<1x16xi32>,
    }
    %scan3A_5 = arith.constant 69 : i32
    %broadcast_in_dim3A = arith.constant 0.000000e+00 : f32
    %broadcast_in_dim3A_6 = vector.broadcast %broadcast_in_dim3A : f32 to vector<16xf32>
    %scan3A_7 = arith.constant 0 : i32
    %scan3A_8 = arith.constant 69 : i32
    %scan3A_9 = arith.addi %scan3A_7, %scan3A_8 : i32
    %scan3A_10 = arith.constant 1 : i32
    %scan3A_11 = scf.for %scan3A_16 = %scan3A_7 to %scan3A_9 step %scan3A_10 iter_args(%scan3A_17 = %broadcast_in_dim3A_6) -> (vector<16xf32>)  : i32 {
      "tpu.region"() ({
        %run_scoped3A = tpu.sem_alloc : memref<!tpu.dma_semaphore, #tpu.memory_space<semaphore_mem>>
        %dma_start3A = arith.constant 0 : i32
        %dma_start3A_151 = tpu.memref_slice %arg6[%scan3A_16, %dma_start3A] : memref<69x128xi32, #tpu.memory_space<vmem>> -> memref<1x128xi32, #tpu.memory_space<vmem>>
        %dma_start3A_152 = tpu.memref_squeeze %dma_start3A_151 : memref<1x128xi32, #tpu.memory_space<vmem>> -> memref<128xi32, #tpu.memory_space<vmem>>
        %dma_start3A_153 = arith.constant 0 : i32
        %dma_start3A_154 = tpu.memref_slice %arg2[%dma_start3A_153] : memref<22633344xf32, #tpu.memory_space<hbm>> -> memref<22633344xf32, #tpu.memory_space<hbm>>
        tpu.enqueue_indirect_dma source(%dma_start3A_154 : memref<22633344xf32, #tpu.memory_space<hbm>>) target(%arg7 : memref<128xf32, #tpu.memory_space<vmem>>) offsets(%dma_start3A_152 : memref<128xi32, #tpu.memory_space<vmem>>) semaphore(%run_scoped3A : memref<!tpu.dma_semaphore, #tpu.memory_space<semaphore_mem>>)
        %dma_wait3A = arith.constant 0 : i32
        %dma_wait3A_155 = tpu.memref_slice %arg6[%scan3A_16, %dma_wait3A] : memref<69x128xi32, #tpu.memory_space<vmem>> -> memref<1x128xi32, #tpu.memory_space<vmem>>
        %dma_wait3A_156 = tpu.memref_squeeze %dma_wait3A_155 : memref<1x128xi32, #tpu.memory_space<vmem>> -> memref<128xi32, #tpu.memory_space<vmem>>
        %dma_wait3A_157 = arith.constant 0 : i32
        %dma_wait3A_158 = tpu.memref_slice %arg2[%dma_wait3A_157] : memref<22633344xf32, #tpu.memory_space<hbm>> -> memref<22633344xf32, #tpu.memory_space<hbm>>
        tpu.wait_indirect_dma semaphore(%run_scoped3A : memref<!tpu.dma_semaphore, #tpu.memory_space<semaphore_mem>>) src(%dma_wait3A_158 : memref<22633344xf32, #tpu.memory_space<hbm>>) dst(%arg7 : memref<128xf32, #tpu.memory_space<vmem>>)
        tpu.yield
      }) : () -> ()
      %mul3A_18 = arith.constant 128 : i32
      %mul3A_19 = arith.muli %scan3A_16, %mul3A_18 : i32
      %add3A_20 = arith.constant 0 : i32
      %add3A_21 = arith.addi %mul3A_19, %add3A_20 : i32
      %get3A = arith.index_cast %add3A_21 : i32 to index
      %get3A_22 = tpu.vector_load %arg5[%get3A] {strides = array<i32>} : memref<8832xi32, #tpu.memory_space<vmem>>, vector<16xi32>,
      %get3A_23 = vector.shape_cast %get3A_22 : vector<16xi32> to vector<16xi32>
      %get3A_24 = arith.constant 0 : index
      %get3A_25 = tpu.vector_load %arg7[%get3A_24] {strides = array<i32>} : memref<128xf32, #tpu.memory_space<vmem>>, vector<16xf32>,
      %get3A_26 = vector.shape_cast %get3A_25 : vector<16xf32> to vector<16xf32>
      %gt3A = arith.constant 0 : i32
      %gt3A_27 = vector.broadcast %gt3A : i32 to vector<16xi32>
      %gt3A_28 = arith.cmpi sgt, %get3A_23, %gt3A_27 : vector<16xi32>
      %broadcast_in_dim3A_29 = arith.constant 0.000000e+00 : f32
      %broadcast_in_dim3A_30 = vector.broadcast %broadcast_in_dim3A_29 : f32 to vector<16xf32>
      %select_n3A = arith.select %gt3A_28, %get3A_26, %broadcast_in_dim3A_30 : vector<16xi1>, vector<16xf32>
      %add3A_31 = arith.addf %scan3A_17, %select_n3A : vector<16xf32>
      %mul3A_32 = arith.constant 128 : i32
      %mul3A_33 = arith.muli %scan3A_16, %mul3A_32 : i32
      %add3A_34 = arith.constant 16 : i32
      %add3A_35 = arith.addi %mul3A_33, %add3A_34 : i32
      %get3A_36 = arith.index_cast %add3A_35 : i32 to index
      %get3A_37 = tpu.vector_load %arg5[%get3A_36] {strides = array<i32>} : memref<8832xi32, #tpu.memory_space<vmem>>, vector<16xi32>,
      %get3A_38 = vector.shape_cast %get3A_37 : vector<16xi32> to vector<16xi32>
      %get3A_39 = arith.constant 16 : index
      %get3A_40 = tpu.vector_load %arg7[%get3A_39] {strides = array<i32>} : memref<128xf32, #tpu.memory_space<vmem>>, vector<16xf32>,
      %get3A_41 = vector.shape_cast %get3A_40 : vector<16xf32> to vector<16xf32>
      %gt3A_42 = arith.constant 0 : i32
      %gt3A_43 = vector.broadcast %gt3A_42 : i32 to vector<16xi32>
      %gt3A_44 = arith.cmpi sgt, %get3A_38, %gt3A_43 : vector<16xi32>
      %broadcast_in_dim3A_45 = arith.constant 0.000000e+00 : f32
      %broadcast_in_dim3A_46 = vector.broadcast %broadcast_in_dim3A_45 : f32 to vector<16xf32>
      %select_n3A_47 = arith.select %gt3A_44, %get3A_41, %broadcast_in_dim3A_46 : vector<16xi1>, vector<16xf32>
      %add3A_48 = arith.addf %add3A_31, %select_n3A_47 : vector<16xf32>
      %mul3A_49 = arith.constant 128 : i32
      %mul3A_50 = arith.muli %scan3A_16, %mul3A_49 : i32
      %add3A_51 = arith.constant 32 : i32
      %add3A_52 = arith.addi %mul3A_50, %add3A_51 : i32
      %get3A_53 = arith.index_cast %add3A_52 : i32 to index
      %get3A_54 = tpu.vector_load %arg5[%get3A_53] {strides = array<i32>} : memref<8832xi32, #tpu.memory_space<vmem>>, vector<16xi32>,
      %get3A_55 = vector.shape_cast %get3A_54 : vector<16xi32> to vector<16xi32>
      %get3A_56 = arith.constant 32 : index
      %get3A_57 = tpu.vector_load %arg7[%get3A_56] {strides = array<i32>} : memref<128xf32, #tpu.memory_space<vmem>>, vector<16xf32>,
      %get3A_58 = vector.shape_cast %get3A_57 : vector<16xf32> to vector<16xf32>
      %gt3A_59 = arith.constant 0 : i32
      %gt3A_60 = vector.broadcast %gt3A_59 : i32 to vector<16xi32>
      %gt3A_61 = arith.cmpi sgt, %get3A_55, %gt3A_60 : vector<16xi32>
      %broadcast_in_dim3A_62 = arith.constant 0.000000e+00 : f32
      %broadcast_in_dim3A_63 = vector.broadcast %broadcast_in_dim3A_62 : f32 to vector<16xf32>
      %select_n3A_64 = arith.select %gt3A_61, %get3A_58, %broadcast_in_dim3A_63 : vector<16xi1>, vector<16xf32>
      %add3A_65 = arith.addf %add3A_48, %select_n3A_64 : vector<16xf32>
      %mul3A_66 = arith.constant 128 : i32
      %mul3A_67 = arith.muli %scan3A_16, %mul3A_66 : i32
      %add3A_68 = arith.constant 48 : i32
      %add3A_69 = arith.addi %mul3A_67, %add3A_68 : i32
      %get3A_70 = arith.index_cast %add3A_69 : i32 to index
      %get3A_71 = tpu.vector_load %arg5[%get3A_70] {strides = array<i32>} : memref<8832xi32, #tpu.memory_space<vmem>>, vector<16xi32>,
      %get3A_72 = vector.shape_cast %get3A_71 : vector<16xi32> to vector<16xi32>
      %get3A_73 = arith.constant 48 : index
      %get3A_74 = tpu.vector_load %arg7[%get3A_73] {strides = array<i32>} : memref<128xf32, #tpu.memory_space<vmem>>, vector<16xf32>,
      %get3A_75 = vector.shape_cast %get3A_74 : vector<16xf32> to vector<16xf32>
      %gt3A_76 = arith.constant 0 : i32
      %gt3A_77 = vector.broadcast %gt3A_76 : i32 to vector<16xi32>
      %gt3A_78 = arith.cmpi sgt, %get3A_72, %gt3A_77 : vector<16xi32>
      %broadcast_in_dim3A_79 = arith.constant 0.000000e+00 : f32
      %broadcast_in_dim3A_80 = vector.broadcast %broadcast_in_dim3A_79 : f32 to vector<16xf32>
      %select_n3A_81 = arith.select %gt3A_78, %get3A_75, %broadcast_in_dim3A_80 : vector<16xi1>, vector<16xf32>
      %add3A_82 = arith.addf %add3A_65, %select_n3A_81 : vector<16xf32>
      %mul3A_83 = arith.constant 128 : i32
      %mul3A_84 = arith.muli %scan3A_16, %mul3A_83 : i32
      %add3A_85 = arith.constant 64 : i32
      %add3A_86 = arith.addi %mul3A_84, %add3A_85 : i32
      %get3A_87 = arith.index_cast %add3A_86 : i32 to index
      %get3A_88 = tpu.vector_load %arg5[%get3A_87] {strides = array<i32>} : memref<8832xi32, #tpu.memory_space<vmem>>, vector<16xi32>,
      %get3A_89 = vector.shape_cast %get3A_88 : vector<16xi32> to vector<16xi32>
      %get3A_90 = arith.constant 64 : index
      %get3A_91 = tpu.vector_load %arg7[%get3A_90] {strides = array<i32>} : memref<128xf32, #tpu.memory_space<vmem>>, vector<16xf32>,
      %get3A_92 = vector.shape_cast %get3A_91 : vector<16xf32> to vector<16xf32>
      %gt3A_93 = arith.constant 0 : i32
      %gt3A_94 = vector.broadcast %gt3A_93 : i32 to vector<16xi32>
      %gt3A_95 = arith.cmpi sgt, %get3A_89, %gt3A_94 : vector<16xi32>
      %broadcast_in_dim3A_96 = arith.constant 0.000000e+00 : f32
      %broadcast_in_dim3A_97 = vector.broadcast %broadcast_in_dim3A_96 : f32 to vector<16xf32>
      %select_n3A_98 = arith.select %gt3A_95, %get3A_92, %broadcast_in_dim3A_97 : vector<16xi1>, vector<16xf32>
      %add3A_99 = arith.addf %add3A_82, %select_n3A_98 : vector<16xf32>
      %mul3A_100 = arith.constant 128 : i32
      %mul3A_101 = arith.muli %scan3A_16, %mul3A_100 : i32
      %add3A_102 = arith.constant 80 : i32
      %add3A_103 = arith.addi %mul3A_101, %add3A_102 : i32
      %get3A_104 = arith.index_cast %add3A_103 : i32 to index
      %get3A_105 = tpu.vector_load %arg5[%get3A_104] {strides = array<i32>} : memref<8832xi32, #tpu.memory_space<vmem>>, vector<16xi32>,
      %get3A_106 = vector.shape_cast %get3A_105 : vector<16xi32> to vector<16xi32>
      %get3A_107 = arith.constant 80 : index
      %get3A_108 = tpu.vector_load %arg7[%get3A_107] {strides = array<i32>} : memref<128xf32, #tpu.memory_space<vmem>>, vector<16xf32>,
      %get3A_109 = vector.shape_cast %get3A_108 : vector<16xf32> to vector<16xf32>
      %gt3A_110 = arith.constant 0 : i32
      %gt3A_111 = vector.broadcast %gt3A_110 : i32 to vector<16xi32>
      %gt3A_112 = arith.cmpi sgt, %get3A_106, %gt3A_111 : vector<16xi32>
      %broadcast_in_dim3A_113 = arith.constant 0.000000e+00 : f32
      %broadcast_in_dim3A_114 = vector.broadcast %broadcast_in_dim3A_113 : f32 to vector<16xf32>
      %select_n3A_115 = arith.select %gt3A_112, %get3A_109, %broadcast_in_dim3A_114 : vector<16xi1>, vector<16xf32>
      %add3A_116 = arith.addf %add3A_99, %select_n3A_115 : vector<16xf32>
      %mul3A_117 = arith.constant 128 : i32
      %mul3A_118 = arith.muli %scan3A_16, %mul3A_117 : i32
      %add3A_119 = arith.constant 96 : i32
      %add3A_120 = arith.addi %mul3A_118, %add3A_119 : i32
      %get3A_121 = arith.index_cast %add3A_120 : i32 to index
      %get3A_122 = tpu.vector_load %arg5[%get3A_121] {strides = array<i32>} : memref<8832xi32, #tpu.memory_space<vmem>>, vector<16xi32>,
      %get3A_123 = vector.shape_cast %get3A_122 : vector<16xi32> to vector<16xi32>
      %get3A_124 = arith.constant 96 : index
      %get3A_125 = tpu.vector_load %arg7[%get3A_124] {strides = array<i32>} : memref<128xf32, #tpu.memory_space<vmem>>, vector<16xf32>,
      %get3A_126 = vector.shape_cast %get3A_125 : vector<16xf32> to vector<16xf32>
      %gt3A_127 = arith.constant 0 : i32
      %gt3A_128 = vector.broadcast %gt3A_127 : i32 to vector<16xi32>
      %gt3A_129 = arith.cmpi sgt, %get3A_123, %gt3A_128 : vector<16xi32>
      %broadcast_in_dim3A_130 = arith.constant 0.000000e+00 : f32
      %broadcast_in_dim3A_131 = vector.broadcast %broadcast_in_dim3A_130 : f32 to vector<16xf32>
      %select_n3A_132 = arith.select %gt3A_129, %get3A_126, %broadcast_in_dim3A_131 : vector<16xi1>, vector<16xf32>
      %add3A_133 = arith.addf %add3A_116, %select_n3A_132 : vector<16xf32>
      %mul3A_134 = arith.constant 128 : i32
      %mul3A_135 = arith.muli %scan3A_16, %mul3A_134 : i32
      %add3A_136 = arith.constant 112 : i32
      %add3A_137 = arith.addi %mul3A_135, %add3A_136 : i32
      %get3A_138 = arith.index_cast %add3A_137 : i32 to index
      %get3A_139 = tpu.vector_load %arg5[%get3A_138] {strides = array<i32>} : memref<8832xi32, #tpu.memory_space<vmem>>, vector<16xi32>,
      %get3A_140 = vector.shape_cast %get3A_139 : vector<16xi32> to vector<16xi32>
      %get3A_141 = arith.constant 112 : index
      %get3A_142 = tpu.vector_load %arg7[%get3A_141] {strides = array<i32>} : memref<128xf32, #tpu.memory_space<vmem>>, vector<16xf32>,
      %get3A_143 = vector.shape_cast %get3A_142 : vector<16xf32> to vector<16xf32>
      %gt3A_144 = arith.constant 0 : i32
      %gt3A_145 = vector.broadcast %gt3A_144 : i32 to vector<16xi32>
      %gt3A_146 = arith.cmpi sgt, %get3A_140, %gt3A_145 : vector<16xi32>
      %broadcast_in_dim3A_147 = arith.constant 0.000000e+00 : f32
      %broadcast_in_dim3A_148 = vector.broadcast %broadcast_in_dim3A_147 : f32 to vector<16xf32>
      %select_n3A_149 = arith.select %gt3A_146, %get3A_143, %broadcast_in_dim3A_148 : vector<16xi1>, vector<16xf32>
      %add3A_150 = arith.addf %add3A_133, %select_n3A_149 : vector<16xf32>
      scf.yield %add3A_150 : vector<16xf32>
    }
    %scan3A_12 = arith.constant 69 : i32
    %swap3A = arith.constant 0 : index
    %swap3A_13 = tpu.vector_load %arg8[%swap3A] {strides = array<i32>} : memref<16xf32, #tpu.memory_space<vmem>>, vector<16xf32>,
    %swap3A_14 = vector.shape_cast %swap3A_13 : vector<16xf32> to vector<16xf32>
    %swap3A_15 = vector.shape_cast %scan3A_11 : vector<16xf32> to vector<16xf32>
    tpu.vector_store %arg8[%swap3A], %swap3A_15 {strides = array<i32>} : memref<16xf32, #tpu.memory_space<vmem>>, vector<16xf32>,
    "tpu.region"() ({
      %run_scoped3A = tpu.sem_alloc : memref<!tpu.dma_semaphore, #tpu.memory_space<semaphore_mem>>
      %dma_start3A = arith.constant 0 : i32
      %dma_start3A_16 = tpu.memref_slice %arg4[%add3A, %dma_start3A] : memref<32x16xf32, #tpu.memory_space<hbm>> -> memref<1x16xf32, #tpu.memory_space<hbm>>
      %dma_start3A_17 = tpu.memref_squeeze %dma_start3A_16 : memref<1x16xf32, #tpu.memory_space<hbm>> -> memref<16xf32, #tpu.memory_space<hbm>>
      %dma_start3A_18 = arith.constant 0 : i32
      %dma_start3A_19 = tpu.memref_slice %arg4[%add3A, %dma_start3A_18] : memref<32x16xf32, #tpu.memory_space<hbm>> -> memref<1x16xf32, #tpu.memory_space<hbm>>
      %dma_start3A_20 = tpu.memref_squeeze %dma_start3A_19 : memref<1x16xf32, #tpu.memory_space<hbm>> -> memref<16xf32, #tpu.memory_space<hbm>>
      tpu.enqueue_dma source(%arg8 : memref<16xf32, #tpu.memory_space<vmem>>) target(%dma_start3A_20 : memref<16xf32, #tpu.memory_space<hbm>>) target_semaphore(%run_scoped3A : memref<!tpu.dma_semaphore, #tpu.memory_space<semaphore_mem>>)
      %dma_wait3A = arith.constant 0 : i32
      %dma_wait3A_21 = tpu.memref_slice %arg4[%add3A, %dma_wait3A] : memref<32x16xf32, #tpu.memory_space<hbm>> -> memref<1x16xf32, #tpu.memory_space<hbm>>
      %dma_wait3A_22 = tpu.memref_squeeze %dma_wait3A_21 : memref<1x16xf32, #tpu.memory_space<hbm>> -> memref<16xf32, #tpu.memory_space<hbm>>
      %dma_wait3A_23 = arith.constant 0 : i32
      %dma_wait3A_24 = tpu.memref_slice %arg4[%add3A, %dma_wait3A_23] : memref<32x16xf32, #tpu.memory_space<hbm>> -> memref<1x16xf32, #tpu.memory_space<hbm>>
      %dma_wait3A_25 = tpu.memref_squeeze %dma_wait3A_24 : memref<1x16xf32, #tpu.memory_space<hbm>> -> memref<16xf32, #tpu.memory_space<hbm>>
      tpu.wait_dma2 semaphore(%run_scoped3A : memref<!tpu.dma_semaphore, #tpu.memory_space<semaphore_mem>>) src(%arg8 : memref<16xf32, #tpu.memory_space<vmem>>) dst(%dma_wait3A_25 : memref<16xf32, #tpu.memory_space<hbm>>)
      tpu.yield
    }) : () -> ()
    return
  }
}

module attributes {stable_mosaic.version = 14 : i64} {
  func.func @_phase1_body(%arg0: i32, %arg1: i32, %arg2: memref<8x384x81xf32, #tpu.memory_space<vmem>>, %arg3: memref<8x384xf32, #tpu.memory_space<vmem>>, %arg4: memref<8x384xf32, #tpu.memory_space<vmem>>) attributes {dimension_semantics = [#tpu.dimension_semantics<arbitrary>, #tpu.dimension_semantics<arbitrary>], iteration_bounds = array<i64: 4, 23>, scalar_prefetch = 0 : i64, scratch_operands = 0 : i64, tpu.core_type = #tpu.core_type<tc>, window_params = [{transform_indices = @transform_0, window_bounds = array<i64: 8, 384, 81>}, {transform_indices = @transform_1, window_bounds = array<i64: 8, 384>}, {transform_indices = @transform_2, window_bounds = array<i64: 8, 384>}]} {
    %get3A = arith.constant 0 : index
    %get3A_0 = arith.constant 0 : index
    %get3A_1 = arith.constant 0 : index
    %get3A_2 = vector.load %arg2[%get3A, %get3A_0, %get3A_1] : memref<8x384x81xf32, #tpu.memory_space<vmem>>, vector<8x384x81xf32>
    %exp3A = math.exp %get3A_2 : vector<8x384x81xf32>
    %reduce_sum3A = arith.constant dense<0.000000e+00> : vector<8x384xf32>
    %reduce_sum3A_3 = vector.multi_reduction <add>, %exp3A, %reduce_sum3A [2] : vector<8x384x81xf32> to vector<8x384xf32>
    %broadcast_in_dim3A = vector.shape_cast %reduce_sum3A_3 : vector<8x384xf32> to vector<8x384x1xf32>
    %log3A = math.log %broadcast_in_dim3A : vector<8x384x1xf32>
    %slice3A = vector.extract_strided_slice %get3A_2 {offsets = [0, 0, 0], sizes = [8, 384, 1], strides = [1, 1, 1]} : vector<8x384x81xf32> to vector<8x384x1xf32>
    %sub3A = arith.subf %log3A, %slice3A : vector<8x384x1xf32>
    %squeeze3A = vector.shape_cast %sub3A : vector<8x384x1xf32> to vector<8x384xf32>
    %swap3A = arith.constant 0 : index
    %swap3A_4 = arith.constant 0 : index
    %swap3A_5 = vector.load %arg3[%swap3A, %swap3A_4] : memref<8x384xf32, #tpu.memory_space<vmem>>, vector<8x384xf32>
    tpu.vector_store %arg3[%swap3A, %swap3A_4], %squeeze3A {strides = array<i32>} : memref<8x384xf32, #tpu.memory_space<vmem>>, vector<8x384xf32>,
    %squeeze3A_6 = vector.shape_cast %log3A : vector<8x384x1xf32> to vector<8x384xf32>
    %swap3A_7 = arith.constant 0 : index
    %swap3A_8 = arith.constant 0 : index
    %swap3A_9 = vector.load %arg4[%swap3A_7, %swap3A_8] : memref<8x384xf32, #tpu.memory_space<vmem>>, vector<8x384xf32>
    tpu.vector_store %arg4[%swap3A_7, %swap3A_8], %squeeze3A_6 {strides = array<i32>} : memref<8x384xf32, #tpu.memory_space<vmem>>, vector<8x384xf32>,
    return
  }
  func.func @transform_0(%arg0: i32, %arg1: i32) -> (i32, i32, i32) {
    %c0_i32 = arith.constant 0 : i32
    %c0_i32_0 = arith.constant 0 : i32
    return %arg0, %arg1, %c0_i32 : i32, i32, i32
  }
  func.func @transform_1(%arg0: i32, %arg1: i32) -> (i32, i32) {
    %c0_i32 = arith.constant 0 : i32
    return %arg0, %arg1 : i32, i32
  }
  func.func @transform_2(%arg0: i32, %arg1: i32) -> (i32, i32) {
    %c0_i32 = arith.constant 0 : i32
    return %arg0, %arg1 : i32, i32
  }
}

module attributes {stable_mosaic.version = 14 : i64} {
  func.func @_huber_body(%arg0: memref<32x34928xf32, #tpu.memory_space<vmem>>, %arg1: memref<32x34928xf32, #tpu.memory_space<vmem>>, %arg2: memref<32x34928xi32, #tpu.memory_space<vmem>>, %arg3: memref<1x1xf32, #tpu.memory_space<vmem>>) attributes {dimension_semantics = [], scalar_prefetch = 0 : i64, scratch_operands = 0 : i64, tpu.core_type = #tpu.core_type<tc>} {
    %get3A = arith.constant 0 : index
    %get3A_0 = arith.constant 0 : index
    %get3A_1 = vector.load %arg0[%get3A, %get3A_0] : memref<32x34928xf32, #tpu.memory_space<vmem>>, vector<32x34928xf32>
    %get3A_2 = arith.constant 0 : index
    %get3A_3 = arith.constant 0 : index
    %get3A_4 = vector.load %arg1[%get3A_2, %get3A_3] : memref<32x34928xf32, #tpu.memory_space<vmem>>, vector<32x34928xf32>
    %sub3A = arith.subf %get3A_1, %get3A_4 : vector<32x34928xf32>
    %abs3A = math.absf %sub3A : vector<32x34928xf32>
    %lt3A = arith.constant 1.000000e+00 : f32
    %lt3A_5 = vector.broadcast %lt3A : f32 to vector<32x34928xf32>
    %lt3A_6 = arith.cmpf olt, %abs3A, %lt3A_5 : vector<32x34928xf32>
    %mul3A = arith.constant 5.000000e-01 : f32
    %mul3A_7 = vector.broadcast %mul3A : f32 to vector<32x34928xf32>
    %mul3A_8 = arith.mulf %mul3A_7, %sub3A : vector<32x34928xf32>
    %mul3A_9 = arith.mulf %mul3A_8, %sub3A : vector<32x34928xf32>
    %sub3A_10 = arith.constant 5.000000e-01 : f32
    %sub3A_11 = vector.broadcast %sub3A_10 : f32 to vector<32x34928xf32>
    %sub3A_12 = arith.subf %abs3A, %sub3A_11 : vector<32x34928xf32>
    %select_n3A = arith.select %lt3A_6, %mul3A_9, %sub3A_12 : vector<32x34928xi1>, vector<32x34928xf32>
    %get3A_13 = arith.constant 0 : index
    %get3A_14 = arith.constant 0 : index
    %get3A_15 = vector.load %arg2[%get3A_13, %get3A_14] : memref<32x34928xi32, #tpu.memory_space<vmem>>, vector<32x34928xi32>
    %gt3A = arith.constant 0 : i32
    %gt3A_16 = vector.broadcast %gt3A : i32 to vector<32x34928xi32>
    %gt3A_17 = arith.cmpi sgt, %get3A_15, %gt3A_16 : vector<32x34928xi32>
    %jit3A = arith.constant 0.000000e+00 : f32
    %broadcast_in_dim3A = vector.broadcast %jit3A : f32 to vector<32x34928xf32>
    %select_n3A_18 = arith.select %gt3A_17, %select_n3A, %broadcast_in_dim3A : vector<32x34928xi1>, vector<32x34928xf32>
    %reduce_sum3A = vector.shape_cast %select_n3A_18 : vector<32x34928xf32> to vector<1x32x34928xf32>
    %reduce_sum3A_19 = arith.constant dense<0.000000e+00> : vector<1xf32>
    %reduce_sum3A_20 = vector.multi_reduction <add>, %reduce_sum3A, %reduce_sum3A_19 [1, 2] : vector<1x32x34928xf32> to vector<1xf32>
    %reduce_sum3A_21 = vector.shape_cast %reduce_sum3A_20 : vector<1xf32> to vector<1x1x1xf32>
    %reduce_sum3A_22 = vector.extract %reduce_sum3A_21[0, 0, 0] : f32 from vector<1x1x1xf32>
    %reshape3A = vector.broadcast %reduce_sum3A_22 : f32 to vector<1x1xf32>
    %swap3A = arith.constant 0 : index
    %swap3A_23 = arith.constant 0 : index
    %swap3A_24 = vector.load %arg3[%swap3A, %swap3A_23] : memref<1x1xf32, #tpu.memory_space<vmem>>, vector<1x1xf32>
    tpu.vector_store %arg3[%swap3A, %swap3A_23], %reshape3A {strides = array<i32>} : memref<1x1xf32, #tpu.memory_space<vmem>>, vector<1x1xf32>,
    return
  }
}

module attributes {stable_mosaic.version = 14 : i64} {
  func.func @_phase2_body(%arg0: memref<32x8832xf32, #tpu.memory_space<vmem>>, %arg1: memref<32x8832xf32, #tpu.memory_space<vmem>>, %arg2: memref<32x8832xi32, #tpu.memory_space<vmem>>, %arg3: memref<32x16xf32, #tpu.memory_space<vmem>>, %arg4: memref<1x1xf32, #tpu.memory_space<vmem>>, %arg5: memref<1x1xf32, #tpu.memory_space<vmem>>, %arg6: memref<1x1xf32, #tpu.memory_space<vmem>>) attributes {dimension_semantics = [], scalar_prefetch = 0 : i64, scratch_operands = 0 : i64, tpu.core_type = #tpu.core_type<tc>} {
    %get3A = arith.constant 0 : index
    %get3A_0 = arith.constant 0 : index
    %get3A_1 = vector.load %arg0[%get3A, %get3A_0] : memref<32x8832xf32, #tpu.memory_space<vmem>>, vector<32x8832xf32>
    %get3A_2 = arith.constant 0 : index
    %get3A_3 = arith.constant 0 : index
    %get3A_4 = vector.load %arg2[%get3A_2, %get3A_3] : memref<32x8832xi32, #tpu.memory_space<vmem>>, vector<32x8832xi32>
    %eq3A = arith.constant 0 : i32
    %eq3A_5 = vector.broadcast %eq3A : i32 to vector<32x8832xi32>
    %eq3A_6 = arith.cmpi eq, %get3A_4, %eq3A_5 : vector<32x8832xi32>
    %gt3A = arith.constant 0 : i32
    %gt3A_7 = vector.broadcast %gt3A : i32 to vector<32x8832xi32>
    %gt3A_8 = arith.cmpi sgt, %get3A_4, %gt3A_7 : vector<32x8832xi32>
    %jit3A = arith.constant 1 : i32
    %jit3A_9 = arith.constant 0 : i32
    %broadcast_in_dim3A = vector.broadcast %jit3A : i32 to vector<32x8832xi32>
    %broadcast_in_dim3A_10 = vector.broadcast %jit3A_9 : i32 to vector<32x8832xi32>
    %select_n3A = arith.select %gt3A_8, %broadcast_in_dim3A, %broadcast_in_dim3A_10 : vector<32x8832xi1>, vector<32x8832xi32>
    %reduce_sum3A = arith.constant dense<0> : vector<32xi32>
    %reduce_sum3A_11 = vector.multi_reduction <add>, %select_n3A, %reduce_sum3A [1] : vector<32x8832xi32> to vector<32xi32>
    %broadcast_in_dim3A_12 = vector.shape_cast %reduce_sum3A_11 : vector<32xi32> to vector<32x1xi32>
    %jit3A_13 = arith.constant 1 : i32
    %jit3A_14 = arith.constant 0 : i32
    %broadcast_in_dim3A_15 = vector.broadcast %jit3A_13 : i32 to vector<32x8832xi32>
    %broadcast_in_dim3A_16 = vector.broadcast %jit3A_14 : i32 to vector<32x8832xi32>
    %select_n3A_17 = arith.select %eq3A_6, %broadcast_in_dim3A_15, %broadcast_in_dim3A_16 : vector<32x8832xi1>, vector<32x8832xi32>
    %reduce_sum3A_18 = arith.constant dense<0> : vector<32xi32>
    %reduce_sum3A_19 = vector.multi_reduction <add>, %select_n3A_17, %reduce_sum3A_18 [1] : vector<32x8832xi32> to vector<32xi32>
    %broadcast_in_dim3A_20 = vector.shape_cast %reduce_sum3A_19 : vector<32xi32> to vector<32x1xi32>
    %mul3A = arith.constant 3 : i32
    %mul3A_21 = vector.broadcast %mul3A : i32 to vector<32x1xi32>
    %mul3A_22 = arith.muli %broadcast_in_dim3A_12, %mul3A_21 : vector<32x1xi32>
    %jit3A_23 = arith.constant 1 : i32
    %jit3A_24 = arith.constant 8731 : i32
    %max3A = vector.broadcast %jit3A_23 : i32 to vector<32x1xi32>
    %max3A_25 = arith.maxsi %max3A, %mul3A_22 : vector<32x1xi32>
    %min3A = vector.broadcast %jit3A_24 : i32 to vector<32x1xi32>
    %min3A_26 = arith.minsi %min3A, %max3A_25 : vector<32x1xi32>
    %min3A_27 = arith.minsi %min3A_26, %broadcast_in_dim3A_20 : vector<32x1xi32>
    %bitcast_convert_type3A = tpu.bitcast %get3A_1 : vector<32x8832xf32> -> vector<32x8832xi32>
    %ge3A = arith.constant 0 : i32
    %ge3A_28 = vector.broadcast %ge3A : i32 to vector<32x8832xi32>
    %ge3A_29 = arith.cmpi sge, %bitcast_convert_type3A, %ge3A_28 : vector<32x8832xi32>
    %xor3A = arith.constant 2147483647 : i32
    %xor3A_30 = vector.broadcast %xor3A : i32 to vector<32x8832xi32>
    %xor3A_31 = arith.xori %bitcast_convert_type3A, %xor3A_30 : vector<32x8832xi32>
    %select_n3A_32 = arith.select %ge3A_29, %bitcast_convert_type3A, %xor3A_31 : vector<32x8832xi1>, vector<32x8832xi32>
    %broadcast_in_dim3A_33 = arith.constant 0 : i32
    %broadcast_in_dim3A_34 = vector.broadcast %broadcast_in_dim3A_33 : i32 to vector<32x1xi32>
    %ge3A_35 = vector.broadcast %broadcast_in_dim3A_34 : vector<32x1xi32> to vector<32x8832xi32>
    %ge3A_36 = arith.cmpi sge, %select_n3A_32, %ge3A_35 : vector<32x8832xi32>
    %and3A = arith.andi %eq3A_6, %ge3A_36 : vector<32x8832xi1>
    %jit3A_37 = arith.constant 1 : i32
    %jit3A_38 = arith.constant 0 : i32
    %broadcast_in_dim3A_39 = vector.broadcast %jit3A_37 : i32 to vector<32x8832xi32>
    %broadcast_in_dim3A_40 = vector.broadcast %jit3A_38 : i32 to vector<32x8832xi32>
    %select_n3A_41 = arith.select %and3A, %broadcast_in_dim3A_39, %broadcast_in_dim3A_40 : vector<32x8832xi1>, vector<32x8832xi32>
    %reduce_sum3A_42 = arith.constant dense<0> : vector<32xi32>
    %reduce_sum3A_43 = vector.multi_reduction <add>, %select_n3A_41, %reduce_sum3A_42 [1] : vector<32x8832xi32> to vector<32xi32>
    %broadcast_in_dim3A_44 = vector.shape_cast %reduce_sum3A_43 : vector<32xi32> to vector<32x1xi32>
    %ge3A_45 = arith.cmpi sge, %broadcast_in_dim3A_44, %min3A_27 : vector<32x1xi32>
    %broadcast_in_dim3A_46 = arith.constant 0 : i32
    %broadcast_in_dim3A_47 = vector.broadcast %broadcast_in_dim3A_46 : i32 to vector<32x1xi32>
    %broadcast_in_dim3A_48 = arith.constant -2147483648 : i32
    %broadcast_in_dim3A_49 = vector.broadcast %broadcast_in_dim3A_48 : i32 to vector<32x1xi32>
    %select_n3A_50 = arith.select %ge3A_45, %broadcast_in_dim3A_47, %broadcast_in_dim3A_49 : vector<32x1xi1>, vector<32x1xi32>
    %broadcast_in_dim3A_51 = arith.constant 0 : i32
    %broadcast_in_dim3A_52 = vector.broadcast %broadcast_in_dim3A_51 : i32 to vector<32x1xi32>
    %scan3A = arith.constant 0 : i32
    %scan3A_53 = arith.constant 31 : i32
    %scan3A_54 = arith.addi %scan3A, %scan3A_53 : i32
    %scan3A_55 = arith.constant 1 : i32
    %scan3A_56 = scf.for %scan3A_144 = %scan3A to %scan3A_54 step %scan3A_55 iter_args(%scan3A_145 = %broadcast_in_dim3A_52) -> (vector<32x1xi32>)  : i32 {
      %sub3A_146 = arith.constant 30 : i32
      %sub3A_147 = arith.subi %sub3A_146, %scan3A_144 : i32
      %shift_left3A = arith.constant 1 : i32
      %shift_left3A_148 = arith.shli %shift_left3A, %sub3A_147 : i32
      %add3A_149 = arith.addi %select_n3A_50, %scan3A_145 : vector<32x1xi32>
      %add3A_150 = vector.broadcast %shift_left3A_148 : i32 to vector<32x1xi32>
      %add3A_151 = arith.addi %add3A_149, %add3A_150 : vector<32x1xi32>
      %ge3A_152 = vector.broadcast %add3A_151 : vector<32x1xi32> to vector<32x8832xi32>
      %ge3A_153 = arith.cmpi sge, %select_n3A_32, %ge3A_152 : vector<32x8832xi32>
      %and3A_154 = arith.andi %eq3A_6, %ge3A_153 : vector<32x8832xi1>
      %jit3A_155 = arith.constant 1 : i32
      %jit3A_156 = arith.constant 0 : i32
      %broadcast_in_dim3A_157 = vector.broadcast %jit3A_155 : i32 to vector<32x8832xi32>
      %broadcast_in_dim3A_158 = vector.broadcast %jit3A_156 : i32 to vector<32x8832xi32>
      %select_n3A_159 = arith.select %and3A_154, %broadcast_in_dim3A_157, %broadcast_in_dim3A_158 : vector<32x8832xi1>, vector<32x8832xi32>
      %reduce_sum3A_160 = arith.constant dense<0> : vector<32xi32>
      %reduce_sum3A_161 = vector.multi_reduction <add>, %select_n3A_159, %reduce_sum3A_160 [1] : vector<32x8832xi32> to vector<32xi32>
      %broadcast_in_dim3A_162 = vector.shape_cast %reduce_sum3A_161 : vector<32xi32> to vector<32x1xi32>
      %ge3A_163 = arith.cmpi sge, %broadcast_in_dim3A_162, %min3A_27 : vector<32x1xi32>
      %add3A_164 = vector.broadcast %shift_left3A_148 : i32 to vector<32x1xi32>
      %add3A_165 = arith.addi %scan3A_145, %add3A_164 : vector<32x1xi32>
      %select_n3A_166 = arith.select %ge3A_163, %add3A_165, %scan3A_145 : vector<32x1xi1>, vector<32x1xi32>
      scf.yield %select_n3A_166 : vector<32x1xi32>
    }
    %scan3A_57 = arith.constant 31 : i32
    %add3A = arith.addi %select_n3A_50, %scan3A_56 : vector<32x1xi32>
    %ge3A_58 = arith.constant 0 : i32
    %ge3A_59 = vector.broadcast %ge3A_58 : i32 to vector<32x1xi32>
    %ge3A_60 = arith.cmpi sge, %add3A, %ge3A_59 : vector<32x1xi32>
    %xor3A_61 = arith.constant 2147483647 : i32
    %xor3A_62 = vector.broadcast %xor3A_61 : i32 to vector<32x1xi32>
    %xor3A_63 = arith.xori %add3A, %xor3A_62 : vector<32x1xi32>
    %select_n3A_64 = arith.select %ge3A_60, %add3A, %xor3A_63 : vector<32x1xi1>, vector<32x1xi32>
    %bitcast_convert_type3A_65 = tpu.bitcast %select_n3A_64 : vector<32x1xi32> -> vector<32x1xf32>
    %gt3A_66 = vector.broadcast %add3A : vector<32x1xi32> to vector<32x8832xi32>
    %gt3A_67 = arith.cmpi sgt, %select_n3A_32, %gt3A_66 : vector<32x8832xi32>
    %and3A_68 = arith.andi %eq3A_6, %gt3A_67 : vector<32x8832xi1>
    %jit3A_69 = arith.constant 1 : i32
    %jit3A_70 = arith.constant 0 : i32
    %broadcast_in_dim3A_71 = vector.broadcast %jit3A_69 : i32 to vector<32x8832xi32>
    %broadcast_in_dim3A_72 = vector.broadcast %jit3A_70 : i32 to vector<32x8832xi32>
    %select_n3A_73 = arith.select %and3A_68, %broadcast_in_dim3A_71, %broadcast_in_dim3A_72 : vector<32x8832xi1>, vector<32x8832xi32>
    %reduce_sum3A_74 = arith.constant dense<0> : vector<32xi32>
    %reduce_sum3A_75 = vector.multi_reduction <add>, %select_n3A_73, %reduce_sum3A_74 [1] : vector<32x8832xi32> to vector<32xi32>
    %broadcast_in_dim3A_76 = vector.shape_cast %reduce_sum3A_75 : vector<32xi32> to vector<32x1xi32>
    %jit3A_77 = arith.constant 0.000000e+00 : f32
    %broadcast_in_dim3A_78 = vector.broadcast %jit3A_77 : f32 to vector<32x8832xf32>
    %select_n3A_79 = arith.select %and3A_68, %get3A_1, %broadcast_in_dim3A_78 : vector<32x8832xi1>, vector<32x8832xf32>
    %reduce_sum3A_80 = arith.constant dense<0.000000e+00> : vector<32xf32>
    %reduce_sum3A_81 = vector.multi_reduction <add>, %select_n3A_79, %reduce_sum3A_80 [1] : vector<32x8832xf32> to vector<32xf32>
    %broadcast_in_dim3A_82 = vector.shape_cast %reduce_sum3A_81 : vector<32xf32> to vector<32x1xf32>
    %jit3A_83 = arith.constant 0.000000e+00 : f32
    %broadcast_in_dim3A_84 = vector.broadcast %jit3A_83 : f32 to vector<32x8832xf32>
    %select_n3A_85 = arith.select %eq3A_6, %get3A_1, %broadcast_in_dim3A_84 : vector<32x8832xi1>, vector<32x8832xf32>
    %reduce_sum3A_86 = arith.constant dense<0.000000e+00> : vector<32xf32>
    %reduce_sum3A_87 = vector.multi_reduction <add>, %select_n3A_85, %reduce_sum3A_86 [1] : vector<32x8832xf32> to vector<32xf32>
    %broadcast_in_dim3A_88 = vector.shape_cast %reduce_sum3A_87 : vector<32xf32> to vector<32x1xf32>
    %ge3A_89 = arith.cmpi sge, %min3A_27, %broadcast_in_dim3A_20 : vector<32x1xi32>
    %sub3A = arith.subi %min3A_27, %broadcast_in_dim3A_76 : vector<32x1xi32>
    %convert_element_type3A = arith.sitofp %sub3A : vector<32x1xi32> to vector<32x1xf32>
    %jit3A_90 = arith.constant 0.000000e+00 : f32
    %broadcast_in_dim3A_91 = vector.broadcast %jit3A_90 : f32 to vector<32x1xf32>
    %select_n3A_92 = arith.select %ge3A_89, %broadcast_in_dim3A_91, %bitcast_convert_type3A_65 : vector<32x1xi1>, vector<32x1xf32>
    %mul3A_93 = arith.mulf %convert_element_type3A, %select_n3A_92 : vector<32x1xf32>
    %add3A_94 = arith.addf %broadcast_in_dim3A_82, %mul3A_93 : vector<32x1xf32>
    %select_n3A_95 = arith.select %ge3A_89, %broadcast_in_dim3A_88, %add3A_94 : vector<32x1xi1>, vector<32x1xf32>
    %get3A_96 = arith.constant 0 : index
    %get3A_97 = arith.constant 0 : index
    %get3A_98 = vector.load %arg1[%get3A_96, %get3A_97] : memref<32x8832xf32, #tpu.memory_space<vmem>>, vector<32x8832xf32>
    %jit3A_99 = arith.constant 0.000000e+00 : f32
    %broadcast_in_dim3A_100 = vector.broadcast %jit3A_99 : f32 to vector<32x8832xf32>
    %select_n3A_101 = arith.select %gt3A_8, %get3A_98, %broadcast_in_dim3A_100 : vector<32x8832xi1>, vector<32x8832xf32>
    %reduce_sum3A_102 = vector.shape_cast %select_n3A_101 : vector<32x8832xf32> to vector<1x32x8832xf32>
    %reduce_sum3A_103 = arith.constant dense<0.000000e+00> : vector<1xf32>
    %reduce_sum3A_104 = vector.multi_reduction <add>, %reduce_sum3A_102, %reduce_sum3A_103 [1, 2] : vector<1x32x8832xf32> to vector<1xf32>
    %reduce_sum3A_105 = vector.shape_cast %reduce_sum3A_104 : vector<1xf32> to vector<1x1x1xf32>
    %reduce_sum3A_106 = vector.extract %reduce_sum3A_105[0, 0, 0] : f32 from vector<1x1x1xf32>
    %broadcast_in_dim3A_107 = vector.broadcast %reduce_sum3A_106 : f32 to vector<1x1xf32>
    %get3A_108 = arith.constant 0 : index
    %get3A_109 = arith.constant 0 : index
    %get3A_110 = vector.load %arg3[%get3A_108, %get3A_109] : memref<32x16xf32, #tpu.memory_space<vmem>>, vector<32x16xf32>
    %reduce_sum3A_111 = vector.shape_cast %get3A_110 : vector<32x16xf32> to vector<1x32x16xf32>
    %reduce_sum3A_112 = arith.constant dense<0.000000e+00> : vector<1xf32>
    %reduce_sum3A_113 = vector.multi_reduction <add>, %reduce_sum3A_111, %reduce_sum3A_112 [1, 2] : vector<1x32x16xf32> to vector<1xf32>
    %reduce_sum3A_114 = vector.shape_cast %reduce_sum3A_113 : vector<1xf32> to vector<1x1x1xf32>
    %reduce_sum3A_115 = vector.extract %reduce_sum3A_114[0, 0, 0] : f32 from vector<1x1x1xf32>
    %broadcast_in_dim3A_116 = vector.broadcast %reduce_sum3A_115 : f32 to vector<1x1xf32>
    %reduce_sum3A_117 = vector.shape_cast %select_n3A_95 : vector<32x1xf32> to vector<1x32x1xf32>
    %reduce_sum3A_118 = arith.constant dense<0.000000e+00> : vector<1xf32>
    %reduce_sum3A_119 = vector.multi_reduction <add>, %reduce_sum3A_117, %reduce_sum3A_118 [1, 2] : vector<1x32x1xf32> to vector<1xf32>
    %reduce_sum3A_120 = vector.shape_cast %reduce_sum3A_119 : vector<1xf32> to vector<1x1x1xf32>
    %reduce_sum3A_121 = vector.extract %reduce_sum3A_120[0, 0, 0] : f32 from vector<1x1x1xf32>
    %broadcast_in_dim3A_122 = vector.broadcast %reduce_sum3A_121 : f32 to vector<1x1xf32>
    %add3A_123 = arith.addf %broadcast_in_dim3A_122, %broadcast_in_dim3A_107 : vector<1x1xf32>
    %sub3A_124 = arith.subf %add3A_123, %broadcast_in_dim3A_116 : vector<1x1xf32>
    %reduce_sum3A_125 = vector.shape_cast %broadcast_in_dim3A_12 : vector<32x1xi32> to vector<1x32x1xi32>
    %reduce_sum3A_126 = arith.constant dense<0> : vector<1xi32>
    %reduce_sum3A_127 = vector.multi_reduction <add>, %reduce_sum3A_125, %reduce_sum3A_126 [1, 2] : vector<1x32x1xi32> to vector<1xi32>
    %reduce_sum3A_128 = vector.shape_cast %reduce_sum3A_127 : vector<1xi32> to vector<1x1x1xi32>
    %reduce_sum3A_129 = vector.extract %reduce_sum3A_128[0, 0, 0] : i32 from vector<1x1x1xi32>
    %max3A_130 = arith.constant 1 : i32
    %max3A_131 = arith.maxsi %reduce_sum3A_129, %max3A_130 : i32
    %convert_element_type3A_132 = arith.sitofp %max3A_131 : i32 to f32
    %get3A_133 = arith.constant 0 : index
    %get3A_134 = arith.constant 0 : index
    %get3A_135 = vector.load %arg4[%get3A_133, %get3A_134] : memref<1x1xf32, #tpu.memory_space<vmem>>, vector<1x1xf32>
    %div3A = vector.broadcast %convert_element_type3A_132 : f32 to vector<1x1xf32>
    %div3A_136 = arith.divf %get3A_135, %div3A : vector<1x1xf32>
    %swap3A = arith.constant 0 : index
    %swap3A_137 = arith.constant 0 : index
    %swap3A_138 = vector.load %arg5[%swap3A, %swap3A_137] : memref<1x1xf32, #tpu.memory_space<vmem>>, vector<1x1xf32>
    tpu.vector_store %arg5[%swap3A, %swap3A_137], %div3A_136 {strides = array<i32>} : memref<1x1xf32, #tpu.memory_space<vmem>>, vector<1x1xf32>,
    %div3A_139 = vector.broadcast %convert_element_type3A_132 : f32 to vector<1x1xf32>
    %div3A_140 = arith.divf %sub3A_124, %div3A_139 : vector<1x1xf32>
    %swap3A_141 = arith.constant 0 : index
    %swap3A_142 = arith.constant 0 : index
    %swap3A_143 = vector.load %arg6[%swap3A_141, %swap3A_142] : memref<1x1xf32, #tpu.memory_space<vmem>>, vector<1x1xf32>
    tpu.vector_store %arg6[%swap3A_141, %swap3A_142], %div3A_140 {strides = array<i32>} : memref<1x1xf32, #tpu.memory_space<vmem>>, vector<1x1xf32>,
    return
  }
}

</mosaic_0001>

<sc_bundles>
// kernel: kernel.6.cloned.1.call-start
scs
__scs_entry_jumppad:
0x0: {  	(pc) =	sbr.rel $0x88, $3  }
0x1: {  	(tag) =	ssettag $0x0;
	lr =	simm.s32 $0x1  }
0x2: {  	[smem:$0x3F9D] =	sst lr;
	_ =	strace $0xD0000000  }
0x3: {  	_ = 	snop  }
0x4: {  	_ = 	snop  }
0x5: {  	_ = 	snop  }
0x6: {  	_ = 	snop  }
0x7: {  	_ = 	snop  }
__scs_overlays_trampoline_lowered:
0x8: {  	[smem:$0x3FAC] =	sst s0  }
0x9: {  	[smem:$0x3FAD] =	sst s1  }
0xa: {  	[smem:$0x3FAE] =	sst s2  }
0xb: {  	[smem:$0x3FAF] =	sst s3  }
0xc: {  	[smem:$0x3FB0] =	sst s4  }
0xd: {  	[smem:$0x3FB1] =	sst s5  }
0xe: {  	[smem:$0x3FB2] =	sst s6  }
0xf: {  	[smem:$0x3FB3] =	sst s7  }
0x10: {  	[smem:$0x3FB4] =	sst s8  }
0x11: {  	[smem:$0x3FB5] =	sst s9;
	s0 =	simm.s32 @!p0 $0x0  }
0x12: {  	s1 =	sld [smem:$0x3F9B];
	s0 =	simm.s32 @p0 $0x1  }
0x13: {  	[smem:$0x3FB6] =	sst s0;
	s0 =	simm.s32 @!p1 $0x0  }
0x14: {  	s2 =	sld [smem:$0x3F9A];
	s0 =	simm.s32 @p1 $0x1  }
0x15: {  	[smem:$0x3FB7] =	sst s0;
	s0 =	simm.s32 @!p2 $0x0  }
0x16: {  	s3 =	sld [smem:$0x3FDB];
	s0 =	simm.s32 @p2 $0x1  }
0x17: {  	s4 =	simm.s32 $0x1BF5;
	[smem:$0x3FB9] =	sst s0  }
0x18: {  	s0 =	sld [smem:$0x3F9C];
	_ =	swait.ge [sflag:s4], $0x0  }
0x19: {  	s7 =	sld [smem:$0x3F9D]  }
0x1a: {  	s8 =	sadd.s32 $0xFFFFE003, lr  }
0x1b: {  	s9 =	sadd.s32 $0xFFFFFEF7, lr;
	s5 =	simm.s32 $0xFFFFFFFF;
	p2 =	slt.u32 s8, $0xFFFFF086  }
0x1c: {  	p1 =	slt.u32 s9, $0xF7A;
	s5 =	simm.s32 @!p2 $0x0  }
0x1d: {  	s5 =	simm.s32 @p1 $0x1;
	p0 =	seq.s32 s7, s2  }
0x1e: {  	s7 =	smul.u32 @!p0 $0xF7A, s2;
	p2 =	seq.s32 @!p0 s5, $0x0  }
0x1f: {  	s9 =	smul.u32 $0xF7A, s1;
	s8 =	simm.s32 @!p0 $0x1BF5;
	p2 =	por !p2, p0  }
0x20: {  	[sflag:s8] =	ssyncset.s32 @!p0 $0xFFFFF086;
	s6 =	sadd.s32 @!p0 s3, s7;
	s7 =	simm.s32 @!p0 $0x108  }
0x21: {  	s3 =	sadd.s32 s3, s9;
	s6 =	sadd.s32 @!p0 $0x88, s6;
	s7 =	simm.s32 @p2 $0x1082  }
0x22: {  	[simem:s7], [sflag:s8] =	dma.local @!p0 [hbm:s6], $0xF7A  }
0x23: {  	s9 =	sor.u32 $0xD0000000, s2;
	s6 =	simm.s32 $0x108;
	_ =	swait.ge @!p0 [sflag:s8], $0x0  }
0x24: {  	s3 =	sadd.s32 $0x88, s3;
	s6 =	simm.s32 @!p1 $0x1082;
	[sflag:s4] =	ssyncset.s32 $0xFFFFF086  }
0x25: {  	[simem:s6], [sflag:s4] =	dma.local [hbm:s3], $0xF7A  }
0x26: {  	[smem:$0x3F9D] =	sst s1;
	(tag) =	ssettag s2;
	_ =	strace s9  }
0x27: {  	s1 =	sld [smem:$0x3FAD]  }
0x28: {  	s2 =	sld [smem:$0x3FAE]  }
0x29: {  	s4 =	sld [smem:$0x3FB0]  }
0x2a: {  	p0 =	seq.s32 s5, $0x0;
	s5 =	sld [smem:$0x3FB1]  }
0x2b: {  	s6 =	sld [smem:$0x3FB2]  }
0x2c: {  	s7 =	sld [smem:$0x3FB3]  }
0x2d: {  	s3 =	simm.s32 $0x108;
	s8 =	sld [smem:$0x3FB4]  }
0x2e: {  	s3 =	simm.s32 @!p0 $0x1082;
	s9 =	sld [smem:$0x3FB5]  }
0x2f: {  	lr =	sadd.s32 s0, s3;
	s0 =	sld [smem:$0x3FAC]  }
0x30: {  	s3 =	sld [smem:$0x3FAF]  }
0x31: {  	[smem:$0x3FB8] =	sst s10  }
0x32: {  	s10 =	sld [smem:$0x3FB6];
	_ =	sdelay $0x3  }
0x33: {  	p0 =	seq.s32 s10, $0x1;
	s10 =	sld [smem:$0x3FB8];
	_ =	sdelay $0x3  }
0x34: {  	[smem:$0x3FB8] =	sst s10  }
0x35: {  	s10 =	sld [smem:$0x3FB7];
	_ =	sdelay $0x3  }
0x36: {  	p1 =	seq.s32 s10, $0x1;
	s10 =	sld [smem:$0x3FB8];
	_ =	sdelay $0x3  }
0x37: {  	[smem:$0x3FB8] =	sst s10  }
0x38: {  	s10 =	sld [smem:$0x3FB9]  }
0x39: {  	_ = 	snop;
	(pc) =	sbr.ind lr, $3  }
0x3a: {  	_ = 	snop  }
0x3b: {  	_ = 	snop  }
0x3c: {  	p2 =	seq.s32 s10, $0x1;
	s10 =	sld [smem:$0x3FB8]  }
0x3d: {  	_ =	shalt  }
0x3e: {  	_ =	shalt  }
0x3f: {  	_ =	shalt  }
0x40: {  	_ =	shalt  }
0x41: {  	_ =	shalt  }
0x42: {  	_ =	shalt  }
0x43: {  	_ =	shalt  }
0x44: {  	_ =	shalt  }
0x45: {  	_ =	shalt  }
0x46: {  	_ =	shalt  }
0x47: {  	_ =	shalt  }
0x48: {  	_ =	shalt  }
0x49: {  	_ =	shalt  }
0x4a: {  	_ =	shalt  }
0x4b: {  	_ =	shalt  }
0x4c: {  	_ =	shalt  }
0x4d: {  	_ =	shalt  }
0x4e: {  	_ =	shalt  }
0x4f: {  	_ =	shalt  }
0x50: {  	_ =	shalt  }
0x51: {  	_ =	shalt  }
0x52: {  	_ =	shalt  }
0x53: {  	_ =	shalt  }
0x54: {  	_ =	shalt  }
0x55: {  	_ =	shalt  }
0x56: {  	_ =	shalt  }
0x57: {  	_ =	shalt  }
0x58: {  	_ =	shalt  }
0x59: {  	_ =	shalt  }
0x5a: {  	_ =	shalt  }
0x5b: {  	_ =	shalt  }
0x5c: {  	_ =	shalt  }
0x5d: {  	_ =	shalt  }
0x5e: {  	_ =	shalt  }
0x5f: {  	_ =	shalt  }
0x60: {  	_ =	shalt  }
0x61: {  	_ =	shalt  }
0x62: {  	_ =	shalt  }
0x63: {  	_ =	shalt  }
0x64: {  	_ =	shalt  }
0x65: {  	_ =	shalt  }
0x66: {  	_ =	shalt  }
0x67: {  	_ =	shalt  }
0x68: {  	_ =	shalt  }
0x69: {  	_ =	shalt  }
0x6a: {  	_ =	shalt  }
0x6b: {  	_ =	shalt  }
0x6c: {  	_ =	shalt  }
0x6d: {  	_ =	shalt  }
0x6e: {  	_ =	shalt  }
0x6f: {  	_ =	shalt  }
0x70: {  	_ =	shalt  }
0x71: {  	_ =	shalt  }
0x72: {  	_ =	shalt  }
0x73: {  	_ =	shalt  }
0x74: {  	_ =	shalt  }
0x75: {  	_ =	shalt  }
0x76: {  	_ =	shalt  }
0x77: {  	_ =	shalt  }
0x78: {  	_ =	shalt  }
0x79: {  	_ =	shalt  }
0x7a: {  	_ =	shalt  }
0x7b: {  	_ =	shalt  }
0x7c: {  	_ =	shalt  }
0x7d: {  	_ =	shalt  }
0x7e: {  	_ =	shalt  }
0x7f: {  	_ =	shalt  }
0x80: {  	_ =	shalt  }
0x81: {  	_ =	shalt  }
0x82: {  	_ =	shalt  }
0x83: {  	_ =	shalt  }
0x84: {  	_ =	shalt  }
0x85: {  	_ =	shalt  }
0x86: {  	_ =	shalt  }
0x87: {  	_ =	shalt  }
.Lfunc_end0:
.L_simem_size_0:
called_computation_lowered:
.L_overlay_start_0:
0x88: {  	s2 =	sld [smem:$0x3FD9]  }
0x89: {  	s3 =	sld [smem:$0x3FFE];
	_ =	sdelay $0x1  }
0x8a: {  	s1 =	srdreg.scid  }
0x8b: {  	s0 =	sand.u32 $0x1, s1  }
0x8c: {  	s16 =	sshll.u32 s0, $0xA;
	s2 =	sadd.s32 s3, s2  }
0x8d: {  	s2 =	sadd.s32 s2, s16  }
0x8e: {  	[smem:$0x3FC4] =	sst s2  }
0x8f: {  	_ = 	snop  }
0x90: {  	(tm) =	ssettm $0x1  }
0x91: {  	s17 =	sld [smem:$0x3FFB];
	_ =	sdelay $0x3  }
0x92: {  	_ =	strace s17  }
0x93: {  	s2 =	sld [smem:$0x3FFC];
	_ =	sdelay $0x3  }
0x94: {  	_ =	strace s2  }
0x95: {  	s2 =	sld [smem:$0x3FFD];
	_ =	sdelay $0x3  }
0x96: {  	_ =	strace s2  }
0x97: {  	_ =	strace $0x8FFFFFFF  }
0x98: {  	s18 =	sld [smem:$0x3FDB];
	_ =	sdelay $0x1  }
0x99: {  	s19 =	simm.s32 $_scs_section_size  }
0x9a: {  	s4 =	simm.s32 $_size__tile_overlayer_lowered;
	s5 =	simm.s32 $_tile_overlayer_lowered  }
0x9b: {  	s22 =	simm.s32 $0x1BFF;
	s21 =	sshll.u32 s5, $0x1;
	s2 =	sadd.s32 s19, s18  }
0x9c: {  	s6 =	simm.s32 $0x0;
	s20 =	sshll.u32 s4, $0x1;
	s4 =	sadd.s32 s21, s2  }
0x9d: {  	[timem:s6], [sflag:s22] =	dma.local [hbm:s4], s20  }
0x9e: {  	_ =	swait.ge [sflag:s22], s20  }
0x9f: {  	s3 =	ssub.s32 $0x0, s20;
	[sflag:s22] =	ssyncset.done $0x0  }
0xa0: {  	[sflag:s22] =	ssyncadd.s32 s3;
	_ =	sdelay $0x1  }
0xa1: {  	s23 =	simm.s32 $0x1B8B  }
0xa2: {  	_ =	swait.ge [sflag:s23], $0x1  }
0xa3: {  	[sflag:s23] =	ssyncset.done $0x0  }
0xa4: {  	s25 =	simm.s32 $0x1B8E;
	s24 =	sld [smem:$0x3FFE];
	[sflag:s23] =	ssyncadd.s32 $0xFFFFFFFF  }
0xa5: {  	s26 =	simm.s32 $execute0_lowered;
	[smem:$0x3FD2] =	sst s25  }
0xa6: {  	s4 =	sshll.u32 s26, $0x1;
	_ =	strace $0x80000046;
	[dreg:$0x1] =	wrdreg $0xFFFFFFFF  }
0xa7: {  	s28 =	simm.s32 $_size_execute0_lowered;
	s2 =	sadd.s32 s2, s4;
	[dreg:$0x0] =	wrdreg $0x0  }
0xa8: {  	s4 =	sshll.u32 s28, $0x1;
	[dreg:$0x2] =	wrdreg s2  }
0xa9: {  	[dreg:$0x3] =	wrdreg s4  }
0xaa: {  	[dreg:$0x4] =	wrdreg $0xC0  }
0xab: {  	_ =	task [dreg:s6], $0x5FFFF  }
0xac: {  	[dreg:$0x1] =	wrdreg $0xFFFFFFFF  }
0xad: {  	[dreg:$0x0] =	wrdreg $0x60  }
0xae: {  	[dreg:$0x2] =	wrdreg s24  }
0xaf: {  	[dreg:$0x3] =	wrdreg $0x9  }
0xb0: {  	_ =	task.clear_ibuf [dreg:s6], $0x4FFFF;
	_ =	strace $0x90000046  }
0xb1: {  	s29 =	simm.s32 $0x9;
	_ =	strace $0x80000048  }
0xb2: {  	_ =	swait.ge [sflag:s29], $0x1  }
0xb3: {  	[sflag:s29] =	ssyncadd.s32 $0xFFFFFFFF  }
0xb4: {  	_ =	strace $0x90000048  }
0xb5: {  	_ =	sfence  }
0xb6: {  	s30 =	sld [smem:$0x0];
	_ =	sdelay $0x2  }
0xb7: {  	s31 =	sshll.u32 s1, $0xD;
	s1 =	sshrl.u32 s1, $0x2  }
0xb8: {  	s3 =	sand.u32 $0x4000, s31;
	s1 =	sadd.s32 s1, s30  }
0xb9: {  	s0 =	sor.u32 s3, s0;
	s1 =	sshll.u32 s1, $0x11  }
0xba: {  	s0 =	sor.u32 s1, s0  }
0xbb: {  	s0 =	sadd.s32 $0x8F2B, s0  }
0xbc: {  	[sflag:s0] =	ssyncadd.remote.s32 $0x1  }
0xbd: {  	_ =	sfence.sel $0xFFFF  }
0xbe: {  	[dreg:$0x0] =	wrdreg $0xFFFFFFFF;
	(pc) =	sbr.abs _section_cstart, $3  }
0xbf: {  	[dreg:$0x1] =	wrdreg $0xFFFFFFFF  }
0xc0: {  	_ =	task.clear_ibuf [dreg:s6], $0x2FFFF;
	_ =	strace $0x9FFFFFFF  }
0xc1: {  	(tm) =	ssettm $0x7FFFFFFF  }
tec
execute0_lowered:
.L_overlay_start_1:
0x0: {  	(tag) =	ssettag $0x1  }
0x1: {  	s4 =	rddreg [dreg:$0x0];
	s2 =	srdreg.scid  }
0x2: {  	s1 =	stileid.u32;
	s0 =	rddreg [dreg:$0x1];
	s10 =	simm.s32 $0x1  }
0x3: {  	s11 =	simm.s32 $0x4680;
	s12 =	simm.s32 $0x4700;
	s5 =	sand.u32 $0x1, s2  }
0x4: {  	s3 =	sshll.u32 s1, $0x1;
	s2 =	simm.s32 $0x0;
	s7 =	sshrl.u32 s1, $0x2  }
0x5: {  	s6 =	sor.u32 s5, s3;
	[smem:$0x7FF] =	sst s2;
	s8 =	smul.u32 $0x11400, s7  }
0x6: {  	s7 =	sshll.u32 s7, $0xA;
	s5 =	ssub.s32 $0x2, s5;
	s3 =	sshll.u32 s6, $0x7  }
0x7: {  	_ =	strace $0x80000047;
	s31 =	sshrl.u32 s5, $0x1;
	s9 =	sand.u32 $0x380, s3  }
0x8: {  	s3 =	sadd.s32 $0x1000, s4;
	s8 =	sor.u32 s8, s9;
	s7 =	sor.u32 s7, s9  }
0x9: {  	s9 =	ssub.s32 s5, s31;
	s8 =	sshrl.u32 s8, $0x3;
	s7 =	sshrl.u32 s7, $0x3  }
0xa: {  	s5 =	smul.u32 $0x221C, s6;
	s8 =	sadd.s32 s8, s4;
	s7 =	sadd.s32 s7, s4  }
0xb: {  	v0 =	vlaneseq.u32;
	s13 =	simm.s32 $0x0;
	s4 =	sadd.s32 $0x6F7C00, s8;
	s6 =	sadd.s32 $0x700600, s7  }
0xc: {  	v0 =	vmul.u32 $0x51, v0;
	s7 =	smax.u32 s9, $0x1;
	s8 =	simm.s32 $0x80;
	s9 =	simm.s32 $0x400  }
.LBB2_1:
0xd: {  	[tilespmem:s2], [sflag:$0x1] =	stream.strided.gather [hbm4b:s4+s8], $0x2280, s9, s8, $0x38;
	[tilespmem:$0x4780] =	vst v63  }
0xe: {  	_ =	swait.ge [sflag:s10], $0x2280  }
0xf: {  	s16 =	sadd.s32 $0x70, s5;
	[sflag:s10] =	ssyncset.done $0x0  }
0x10: {  	s15 =	simm.s32 $0x40;
	s14 =	sadd.s32 $0xFFFFFF90, s16;
	[sflag:s10] =	ssyncadd.s32 $0xFFFFDD80  }
0x11: {  	v2 =	vmov s14;
	v1 =	vld [tilespmem:s15+$0xFFFFFFC0]  }
0x12: {  	v2 =	vmul.u32 $0x51, v2;
	_ =	sdelay $0x1  }
0x13: {  	v2 =	vbroadcast v2, $0x0;
	_ =	sdelay $0x1  }
0x14: {  	v2 =	vadd.s32 v1, v2  }
0x15: {  	vm0 =	vgt.s32 v1, $0x0;
	v1 =	vadd.s32 v0, v2  }
0x16: {  	s14 =	simm.s32 $0x22C0;
	v1 =	vnsel vm0, $0x0, v1  }
0x17: {  	s17 =	sadd.s32 $0xFFFFFFA0, s16;
	[tilespmem:s14+$0xFFFFFFC0] =	vst v1  }
0x18: {  	v2 =	vmov s17;
	v1 =	vld [tilespmem:s15+$0xFFFFFFD0]  }
0x19: {  	v2 =	vmul.u32 $0x51, v2;
	_ =	sdelay $0x1  }
0x1a: {  	v2 =	vbroadcast v2, $0x0;
	_ =	sdelay $0x1  }
0x1b: {  	v2 =	vadd.s32 v1, v2  }
0x1c: {  	vm9 =	vgt.s32 v1, $0x0;
	v1 =	vadd.s32 v0, v2  }
0x1d: {  	v1 =	vnsel vm9, $0x0, v1  }
0x1e: {  	s26 =	sadd.s32 $0xFFFFFFB0, s16;
	[tilespmem:s14+$0xFFFFFFD0] =	vst v1  }
0x1f: {  	v2 =	vmov s26;
	v1 =	vld [tilespmem:s15+$0xFFFFFFE0]  }
0x20: {  	v2 =	vmul.u32 $0x51, v2;
	_ =	sdelay $0x1  }
0x21: {  	v2 =	vbroadcast v2, $0x0;
	_ =	sdelay $0x1  }
0x22: {  	v2 =	vadd.s32 v1, v2  }
0x23: {  	vm10 =	vgt.s32 v1, $0x0;
	v1 =	vadd.s32 v0, v2  }
0x24: {  	v1 =	vnsel vm10, $0x0, v1  }
0x25: {  	s28 =	sadd.s32 $0xFFFFFFC0, s16;
	[tilespmem:s14+$0xFFFFFFE0] =	vst v1  }
0x26: {  	v2 =	vmov s28;
	v1 =	vld [tilespmem:s15+$0xFFFFFFF0]  }
0x27: {  	v2 =	vmul.u32 $0x51, v2;
	_ =	sdelay $0x1  }
0x28: {  	v2 =	vbroadcast v2, $0x0;
	_ =	sdelay $0x1  }
0x29: {  	v2 =	vadd.s32 v1, v2  }
0x2a: {  	vm11 =	vgt.s32 v1, $0x0;
	v1 =	vadd.s32 v0, v2  }
0x2b: {  	v1 =	vnsel vm11, $0x0, v1  }
0x2c: {  	s29 =	sadd.s32 $0xFFFFFFD0, s16;
	[tilespmem:s14+$0xFFFFFFF0] =	vst v1  }
0x2d: {  	v2 =	vmov s29;
	v1 =	vld [tilespmem:s15+$0x0]  }
0x2e: {  	v2 =	vmul.u32 $0x51, v2;
	_ =	sdelay $0x1  }
0x2f: {  	v2 =	vbroadcast v2, $0x0;
	_ =	sdelay $0x1  }
0x30: {  	v2 =	vadd.s32 v1, v2  }
0x31: {  	vm12 =	vgt.s32 v1, $0x0;
	v1 =	vadd.s32 v0, v2  }
0x32: {  	v1 =	vnsel vm12, $0x0, v1  }
0x33: {  	s30 =	sadd.s32 $0xFFFFFFE0, s16;
	[tilespmem:s14+$0x0] =	vst v1  }
0x34: {  	v2 =	vmov s30;
	v1 =	vld [tilespmem:s15+$0x10]  }
0x35: {  	v2 =	vmul.u32 $0x51, v2;
	_ =	sdelay $0x1  }
0x36: {  	v2 =	vbroadcast v2, $0x0;
	_ =	sdelay $0x1  }
0x37: {  	v2 =	vadd.s32 v1, v2  }
0x38: {  	vm13 =	vgt.s32 v1, $0x0;
	v1 =	vadd.s32 v0, v2  }
0x39: {  	v1 =	vnsel vm13, $0x0, v1  }
0x3a: {  	s31 =	sadd.s32 $0xFFFFFFF0, s16;
	[tilespmem:s14+$0x10] =	vst v1  }
0x3b: {  	v2 =	vmov s31;
	v1 =	vld [tilespmem:s15+$0x20]  }
0x3c: {  	v2 =	vmul.u32 $0x51, v2;
	_ =	sdelay $0x1  }
0x3d: {  	v2 =	vbroadcast v2, $0x0;
	_ =	sdelay $0x1  }
0x3e: {  	v2 =	vadd.s32 v1, v2  }
0x3f: {  	vm14 =	vgt.s32 v1, $0x0;
	v1 =	vadd.s32 v0, v2  }
0x40: {  	v1 =	vnsel vm14, $0x0, v1  }
0x41: {  	[tilespmem:s14+$0x20] =	vst v1  }
0x42: {  	v2 =	vmov s16;
	v1 =	vld [tilespmem:s15+$0x30]  }
0x43: {  	v2 =	vmul.u32 $0x51, v2;
	_ =	sdelay $0x1  }
0x44: {  	v2 =	vbroadcast v2, $0x0;
	_ =	sdelay $0x1  }
0x45: {  	v2 =	vadd.s32 v1, v2  }
0x46: {  	vm15 =	vgt.s32 v1, $0x0;
	v1 =	vadd.s32 v0, v2  }
0x47: {  	s17 =	simm.s32 $0x170;
	s16 =	sadd.s32 $0xF0, s5;
	v1 =	vnsel vm15, $0x0, v1  }
.LBB2_2:
0x48: {  	p0 =	sne.s32 s17, $0x2270;
	s18 =	sadd.s32 $0xFFFFFF90, s16;
	[tilespmem:s14+$0x30] =	vst v1;
	s15 =	sadd.s32 $0x80, s15  }
0x49: {  	v1 =	vld [tilespmem:s15+$0xFFFFFFC0];
	v2 =	vmov s18  }
0x4a: {  	v2 =	vmul.u32 $0x51, v2;
	_ =	sdelay $0x1  }
0x4b: {  	v2 =	vbroadcast v2, $0x0;
	_ =	sdelay $0x1  }
0x4c: {  	v2 =	vadd.s32 v1, v2  }
0x4d: {  	vm0 =	vgt.s32 v1, $0x0;
	v1 =	vadd.s32 v0, v2  }
0x4e: {  	s14 =	sadd.s32 $0x80, s14;
	v1 =	vnsel vm0, $0x0, v1  }
0x4f: {  	s18 =	sadd.s32 $0xFFFFFFA0, s16;
	[tilespmem:s14+$0xFFFFFFC0] =	vst v1  }
0x50: {  	v2 =	vmov s18;
	v1 =	vld [tilespmem:s15+$0xFFFFFFD0]  }
0x51: {  	v2 =	vmul.u32 $0x51, v2;
	_ =	sdelay $0x1  }
0x52: {  	v2 =	vbroadcast v2, $0x0;
	_ =	sdelay $0x1  }
0x53: {  	v2 =	vadd.s32 v1, v2  }
0x54: {  	vm0 =	vgt.s32 v1, $0x0;
	v1 =	vadd.s32 v0, v2  }
0x55: {  	v1 =	vnsel vm0, $0x0, v1  }
0x56: {  	s18 =	sadd.s32 $0xFFFFFFB0, s16;
	[tilespmem:s14+$0xFFFFFFD0] =	vst v1  }
0x57: {  	v2 =	vmov s18;
	v1 =	vld [tilespmem:s15+$0xFFFFFFE0]  }
0x58: {  	v2 =	vmul.u32 $0x51, v2;
	_ =	sdelay $0x1  }
0x59: {  	v2 =	vbroadcast v2, $0x0;
	_ =	sdelay $0x1  }
0x5a: {  	v2 =	vadd.s32 v1, v2  }
0x5b: {  	vm0 =	vgt.s32 v1, $0x0;
	v1 =	vadd.s32 v0, v2  }
0x5c: {  	v1 =	vnsel vm0, $0x0, v1  }
0x5d: {  	s18 =	sadd.s32 $0xFFFFFFC0, s16;
	[tilespmem:s14+$0xFFFFFFE0] =	vst v1  }
0x5e: {  	v2 =	vmov s18;
	v1 =	vld [tilespmem:s15+$0xFFFFFFF0]  }
0x5f: {  	v2 =	vmul.u32 $0x51, v2;
	_ =	sdelay $0x1  }
0x60: {  	v2 =	vbroadcast v2, $0x0;
	_ =	sdelay $0x1  }
0x61: {  	v2 =	vadd.s32 v1, v2  }
0x62: {  	vm0 =	vgt.s32 v1, $0x0;
	v1 =	vadd.s32 v0, v2  }
0x63: {  	v1 =	vnsel vm0, $0x0, v1  }
0x64: {  	s18 =	sadd.s32 $0xFFFFFFD0, s16;
	[tilespmem:s14+$0xFFFFFFF0] =	vst v1  }
0x65: {  	v2 =	vmov s18;
	v1 =	vld [tilespmem:s15+$0x0]  }
0x66: {  	v2 =	vmul.u32 $0x51, v2;
	_ =	sdelay $0x1  }
0x67: {  	v2 =	vbroadcast v2, $0x0;
	_ =	sdelay $0x1  }
0x68: {  	v2 =	vadd.s32 v1, v2  }
0x69: {  	vm0 =	vgt.s32 v1, $0x0;
	v1 =	vadd.s32 v0, v2  }
0x6a: {  	v1 =	vnsel vm0, $0x0, v1  }
0x6b: {  	s18 =	sadd.s32 $0xFFFFFFE0, s16;
	[tilespmem:s14+$0x0] =	vst v1  }
0x6c: {  	v2 =	vmov s18;
	v1 =	vld [tilespmem:s15+$0x10]  }
0x6d: {  	v2 =	vmul.u32 $0x51, v2;
	_ =	sdelay $0x1  }
0x6e: {  	v2 =	vbroadcast v2, $0x0;
	_ =	sdelay $0x1  }
0x6f: {  	v2 =	vadd.s32 v1, v2  }
0x70: {  	vm0 =	vgt.s32 v1, $0x0;
	v1 =	vadd.s32 v0, v2  }
0x71: {  	v1 =	vnsel vm0, $0x0, v1  }
0x72: {  	s18 =	sadd.s32 $0xFFFFFFF0, s16;
	[tilespmem:s14+$0x10] =	vst v1  }
0x73: {  	v2 =	vmov s18;
	v1 =	vld [tilespmem:s15+$0x20]  }
0x74: {  	v2 =	vmul.u32 $0x51, v2;
	_ =	sdelay $0x1  }
0x75: {  	v2 =	vbroadcast v2, $0x0;
	_ =	sdelay $0x1  }
0x76: {  	v2 =	vadd.s32 v1, v2  }
0x77: {  	vm0 =	vgt.s32 v1, $0x0;
	v1 =	vadd.s32 v0, v2  }
0x78: {  	v1 =	vnsel vm0, $0x0, v1  }
0x79: {  	[tilespmem:s14+$0x20] =	vst v1  }
0x7a: {  	v2 =	vmov s16;
	v1 =	vld [tilespmem:s15+$0x30]  }
0x7b: {  	v2 =	vmul.u32 $0x51, v2;
	_ =	sdelay $0x1  }
.Ltmp0:
0x7c: {  	v2 =	vbroadcast v2, $0x0;
	(pc) =	sbr.rel @p0 .LBB2_2-.Ltmp0, $4  }
0x7d: {  	_ = 	snop  }
0x7e: {  	v2 =	vadd.s32 v1, v2  }
0x7f: {  	vm0 =	vgt.s32 v1, $0x0;
	v1 =	vadd.s32 v0, v2  }
0x80: {  	s16 =	sadd.s32 s5, s17;
	s17 =	sadd.s32 $0x80, s17;
	v1 =	vnsel vm0, $0x0, v1  }
0x81: {  	s17 =	sadd.s32 $0xFFFFFF90, s16;
	[tilespmem:s14+$0x30] =	vst v1;
	s15 =	sadd.s32 $0x80, s15  }
0x82: {  	v1 =	vld [tilespmem:s15+$0xFFFFFFC0];
	v2 =	vmov s17  }
0x83: {  	v2 =	vmul.u32 $0x51, v2;
	_ =	sdelay $0x1  }
0x84: {  	v2 =	vbroadcast v2, $0x0;
	_ =	sdelay $0x1  }
0x85: {  	v2 =	vadd.s32 v1, v2  }
0x86: {  	vm0 =	vgt.s32 v1, $0x0;
	v1 =	vadd.s32 v0, v2  }
0x87: {  	s21 =	sadd.s32 $0x80, s14;
	v1 =	vnsel vm0, $0x0, v1  }
0x88: {  	s22 =	sadd.s32 $0xFFFFFFA0, s16;
	[tilespmem:s21+$0xFFFFFFC0] =	vst v1  }
0x89: {  	v2 =	vmov s22;
	v1 =	vld [tilespmem:s15+$0xFFFFFFD0]  }
0x8a: {  	v2 =	vmul.u32 $0x51, v2;
	_ =	sdelay $0x1  }
0x8b: {  	v2 =	vbroadcast v2, $0x0;
	_ =	sdelay $0x1  }
0x8c: {  	v2 =	vadd.s32 v1, v2  }
0x8d: {  	vm13 =	vgt.s32 v1, $0x0;
	v1 =	vadd.s32 v0, v2  }
0x8e: {  	v1 =	vnsel vm13, $0x0, v1  }
0x8f: {  	s23 =	sadd.s32 $0xFFFFFFB0, s16;
	[tilespmem:s21+$0xFFFFFFD0] =	vst v1  }
0x90: {  	v2 =	vmov s23;
	v1 =	vld [tilespmem:s15+$0xFFFFFFE0]  }
0x91: {  	v2 =	vmul.u32 $0x51, v2;
	_ =	sdelay $0x1  }
0x92: {  	v2 =	vbroadcast v2, $0x0;
	_ =	sdelay $0x1  }
0x93: {  	v2 =	vadd.s32 v1, v2  }
0x94: {  	vm14 =	vgt.s32 v1, $0x0;
	v1 =	vadd.s32 v0, v2  }
0x95: {  	v1 =	vnsel vm14, $0x0, v1  }
0x96: {  	s24 =	sadd.s32 $0xFFFFFFC0, s16;
	[tilespmem:s21+$0xFFFFFFE0] =	vst v1  }
0x97: {  	v2 =	vmov s24;
	v1 =	vld [tilespmem:s15+$0xFFFFFFF0]  }
0x98: {  	v2 =	vmul.u32 $0x51, v2;
	_ =	sdelay $0x1  }
0x99: {  	v2 =	vbroadcast v2, $0x0;
	_ =	sdelay $0x1  }
0x9a: {  	v2 =	vadd.s32 v1, v2  }
0x9b: {  	vm15 =	vgt.s32 v1, $0x0;
	v1 =	vadd.s32 v0, v2  }
0x9c: {  	v1 =	vnsel vm15, $0x0, v1  }
0x9d: {  	s25 =	sadd.s32 $0xFFFFFFD0, s16;
	[tilespmem:s21+$0xFFFFFFF0] =	vst v1  }
0x9e: {  	v2 =	vmov s25;
	v1 =	vld [tilespmem:s15+$0x0]  }
0x9f: {  	v2 =	vmul.u32 $0x51, v2;
	_ =	sdelay $0x1  }
0xa0: {  	v2 =	vbroadcast v2, $0x0;
	_ =	sdelay $0x1  }
0xa1: {  	v2 =	vadd.s32 v1, v2  }
0xa2: {  	vm4 =	vgt.s32 v1, $0x0;
	v1 =	vadd.s32 v0, v2  }
0xa3: {  	v1 =	vnsel vm4, $0x0, v1  }
0xa4: {  	s26 =	sadd.s32 $0xFFFFFFE0, s16;
	[tilespmem:s21+$0x0] =	vst v1  }
0xa5: {  	v2 =	vmov s26;
	v1 =	vld [tilespmem:s15+$0x10]  }
0xa6: {  	v2 =	vmul.u32 $0x51, v2;
	_ =	sdelay $0x1  }
0xa7: {  	v2 =	vbroadcast v2, $0x0;
	_ =	sdelay $0x1  }
0xa8: {  	v2 =	vadd.s32 v1, v2  }
0xa9: {  	vm5 =	vgt.s32 v1, $0x0;
	v1 =	vadd.s32 v0, v2  }
0xaa: {  	v1 =	vnsel vm5, $0x0, v1  }
0xab: {  	s28 =	sadd.s32 $0xFFFFFFF0, s16;
	[tilespmem:s21+$0x10] =	vst v1  }
0xac: {  	v2 =	vmov s28;
	v1 =	vld [tilespmem:s15+$0x20]  }
0xad: {  	v2 =	vmul.u32 $0x51, v2;
	_ =	sdelay $0x1  }
0xae: {  	v2 =	vbroadcast v2, $0x0;
	_ =	sdelay $0x1  }
0xaf: {  	v2 =	vadd.s32 v1, v2  }
0xb0: {  	vm6 =	vgt.s32 v1, $0x0;
	v1 =	vadd.s32 v0, v2  }
0xb1: {  	v1 =	vnsel vm6, $0x0, v1  }
0xb2: {  	[tilespmem:s21+$0x20] =	vst v1  }
0xb3: {  	v2 =	vmov s16;
	v1 =	vld [tilespmem:s15+$0x30]  }
0xb4: {  	v2 =	vmul.u32 $0x51, v2;
	_ =	sdelay $0x1  }
0xb5: {  	v2 =	vbroadcast v2, $0x0;
	_ =	sdelay $0x1  }
0xb6: {  	v2 =	vadd.s32 v1, v2  }
0xb7: {  	vm7 =	vgt.s32 v1, $0x0;
	v1 =	vadd.s32 v0, v2  }
0xb8: {  	v1 =	vnsel vm7, $0x0, v1  }
0xb9: {  	s29 =	simm.s32 $0x2280;
	[tilespmem:s21+$0x30] =	vst v1  }
0xba: {  	[tilespmem:s11], [sflag:$0x1] =	stream.indirect.gather [hbm4b:s3+s8], $0x1, s29, s8, $0xb8;
	[tilespmem:$0x4780] =	vst v63  }
0xbb: {  	_ =	swait.ge [sflag:s10], $0x80  }
0xbc: {  	[sflag:s10] =	ssyncset.done $0x0  }
0xbd: {  	s30 =	simm.s32 $0x0;
	[sflag:s10] =	ssyncadd.s32 $0xFFFFFF80  }
0xbe: {  	v1 =	vld [tilespmem:s30+$0x0]  }
0xbf: {  	v2 =	vld [tilespmem:$0x4680]  }
0xc0: {  	v3 =	vld [tilespmem:s30+$0x10]  }
0xc1: {  	v4 =	vld [tilespmem:$0x4690]  }
0xc2: {  	v5 =	vld [tilespmem:s30+$0x20]  }
0xc3: {  	v6 =	vld [tilespmem:$0x46A0];
	vm8 =	vgt.s32 v1, $0x0  }
0xc4: {  	v7 =	vimm.f32 $0.0e+00;
	v1 =	vld [tilespmem:s30+$0x30];
	v2 =	vnsel vm8, $0x0, v2  }
0xc5: {  	v8 =	vld [tilespmem:$0x46B0];
	vm9 =	vgt.s32 v3, $0x0;
	v2 =	vadd.f32 v2, v7  }
0xc6: {  	v3 =	vld [tilespmem:s30+$0x40];
	v4 =	vnsel vm9, $0x0, v4  }
0xc7: {  	v60 =	vld [tilespmem:$0x46C0];
	vm10 =	vgt.s32 v5, $0x0;
	v2 =	vadd.f32 v4, v2  }
0xc8: {  	v5 =	vnsel vm10, $0x0, v6;
	v4 =	vld [tilespmem:s30+$0x50]  }
0xc9: {  	v61 =	vld [tilespmem:$0x46D0];
	vm11 =	vgt.s32 v1, $0x0;
	v2 =	vadd.f32 v5, v2  }
0xca: {  	v1 =	vld [tilespmem:s30+$0x60];
	v5 =	vnsel vm11, $0x0, v8  }
0xcb: {  	v62 =	vld [tilespmem:$0x46E0];
	vm12 =	vgt.s32 v3, $0x0;
	v2 =	vadd.f32 v5, v2  }
0xcc: {  	v3 =	vld [tilespmem:s30+$0x70];
	v5 =	vnsel vm12, $0x0, v60  }
0xcd: {  	s31 =	simm.s32 $0x2300;
	v63 =	vld [tilespmem:$0x46F0];
	vm13 =	vgt.s32 v4, $0x0;
	v2 =	vadd.f32 v5, v2  }
0xce: {  	[tilespmem:s11], [sflag:$0x1] =	stream.indirect.gather [hbm4b:s3+s8], $0x1, s31, s8, $0xb8;
	v4 =	vnsel vm13, $0x0, v61;
	[tilespmem:$0x4780] =	vst v63  }
0xcf: {  	_ =	swait.ge [sflag:s10], $0x80;
	vm14 =	vgt.s32 v1, $0x0;
	v2 =	vadd.f32 v4, v2  }
0xd0: {  	[sflag:s10] =	ssyncset.done $0x0;
	v1 =	vnsel vm14, $0x0, v62  }
0xd1: {  	s14 =	simm.s32 $0x80;
	[sflag:s10] =	ssyncadd.s32 $0xFFFFFF80;
	vm15 =	vgt.s32 v3, $0x0;
	v2 =	vadd.f32 v1, v2  }
0xd2: {  	s15 =	simm.s32 $0x400;
	v3 =	vnsel vm15, $0x0, v63;
	v1 =	vld [tilespmem:s14+$0x0]  }
.LBB2_4:
0xd3: {  	p0 =	sne.s32 s15, $0x8800;
	v4 =	vld [tilespmem:$0x4680];
	v2 =	vadd.f32 v3, v2;
	s16 =	smov.u32 s15;
	s15 =	sadd.s32 $0x200, s15  }
0xd4: {  	v3 =	vld [tilespmem:s14+$0x10]  }
0xd5: {  	v5 =	vld [tilespmem:$0x4690]  }
0xd6: {  	v6 =	vld [tilespmem:s14+$0x20]  }
0xd7: {  	vm0 =	vgt.s32 v1, $0x0;
	v1 =	vld [tilespmem:$0x46A0]  }
0xd8: {  	v4 =	vnsel vm0, $0x0, v4;
	v7 =	vld [tilespmem:s14+$0x30]  }
0xd9: {  	v2 =	vadd.f32 v4, v2;
	vm0 =	vgt.s32 v3, $0x0;
	v3 =	vld [tilespmem:$0x46B0]  }
0xda: {  	v4 =	vnsel vm0, $0x0, v5;
	v5 =	vld [tilespmem:s14+$0x40]  }
0xdb: {  	v2 =	vadd.f32 v4, v2;
	vm0 =	vgt.s32 v6, $0x0;
	v4 =	vld [tilespmem:$0x46C0]  }
0xdc: {  	v1 =	vnsel vm0, $0x0, v1;
	v6 =	vld [tilespmem:s14+$0x50]  }
0xdd: {  	v1 =	vadd.f32 v1, v2;
	vm0 =	vgt.s32 v7, $0x0;
	v2 =	vld [tilespmem:$0x46D0]  }
0xde: {  	v3 =	vnsel vm0, $0x0, v3;
	v7 =	vld [tilespmem:s14+$0x60]  }
0xdf: {  	v1 =	vadd.f32 v3, v1;
	vm0 =	vgt.s32 v5, $0x0;
	v3 =	vld [tilespmem:$0x46E0]  }
0xe0: {  	v4 =	vnsel vm0, $0x0, v4;
	v5 =	vld [tilespmem:s14+$0x70];
	s14 =	sshra.s32 s16, $0x2  }
0xe1: {  	s16 =	sadd.s32 $0x2280, s14;
	v1 =	vadd.f32 v4, v1;
	vm0 =	vgt.s32 v6, $0x0;
	v4 =	vld [tilespmem:$0x46F0]  }
0xe2: {  	[tilespmem:s11], [sflag:$0x1] =	stream.indirect.gather [hbm4b:s3+s8], $0x1, s16, s8, $0xb8;
	[tilespmem:$0x4780] =	vst v63  }
.Ltmp1:
0xe3: {  	v2 =	vnsel vm0, $0x0, v2;
	(pc) =	sbr.rel @p0 .LBB2_4-.Ltmp1, $4  }
0xe4: {  	_ =	swait.ge [sflag:s10], $0x80;
	v1 =	vadd.f32 v2, v1;
	vm0 =	vgt.s32 v7, $0x0  }
0xe5: {  	[sflag:s10] =	ssyncset.done $0x0;
	v2 =	vnsel vm0, $0x0, v3  }
0xe6: {  	[sflag:s10] =	ssyncadd.s32 $0xFFFFFF80;
	v2 =	vadd.f32 v2, v1;
	vm0 =	vgt.s32 v5, $0x0  }
0xe7: {  	v1 =	vld [tilespmem:s14+$0x0];
	v3 =	vnsel vm0, $0x0, v4  }
0xe8: {  	v4 =	vld [tilespmem:$0x4680]  }
0xe9: {  	v5 =	vld [tilespmem:s14+$0x10]  }
0xea: {  	v6 =	vld [tilespmem:$0x4690]  }
0xeb: {  	v7 =	vld [tilespmem:s14+$0x20]  }
0xec: {  	v2 =	vadd.f32 v3, v2;
	vm0 =	vgt.s32 v1, $0x0;
	v1 =	vld [tilespmem:$0x46A0]  }
0xed: {  	v57 =	vld [tilespmem:s14+$0x30];
	v3 =	vnsel vm0, $0x0, v4  }
0xee: {  	vm9 =	vgt.s32 v5, $0x0;
	v2 =	vadd.f32 v3, v2;
	v3 =	vld [tilespmem:$0x46B0]  }
0xef: {  	v58 =	vld [tilespmem:s14+$0x40];
	v5 =	vnsel vm9, $0x0, v6  }
0xf0: {  	v59 =	vld [tilespmem:$0x46C0];
	vm10 =	vgt.s32 v7, $0x0;
	v2 =	vadd.f32 v5, v2  }
0xf1: {  	v60 =	vld [tilespmem:s14+$0x50];
	v1 =	vnsel vm10, $0x0, v1  }
0xf2: {  	vm11 =	vgt.s32 v57, $0x0;
	v1 =	vadd.f32 v1, v2;
	v2 =	vld [tilespmem:$0x46D0]  }
0xf3: {  	v61 =	vld [tilespmem:s14+$0x60];
	v3 =	vnsel vm11, $0x0, v3  }
0xf4: {  	vm12 =	vgt.s32 v58, $0x0;
	v1 =	vadd.f32 v3, v1;
	v3 =	vld [tilespmem:$0x46E0]  }
0xf5: {  	v62 =	vld [tilespmem:s14+$0x70];
	v5 =	vnsel vm12, $0x0, v59  }
0xf6: {  	v63 =	vld [tilespmem:$0x46F0];
	vm13 =	vgt.s32 v60, $0x0;
	v1 =	vadd.f32 v5, v1  }
0xf7: {  	v2 =	vnsel vm13, $0x0, v2  }
0xf8: {  	vm14 =	vgt.s32 v61, $0x0;
	v1 =	vadd.f32 v2, v1  }
0xf9: {  	v2 =	vnsel vm14, $0x0, v3  }
0xfa: {  	vm15 =	vgt.s32 v62, $0x0;
	v1 =	vadd.f32 v2, v1  }
0xfb: {  	v2 =	vnsel vm15, $0x0, v63  }
0xfc: {  	s13 =	sadd.s32 $0x1, s13;
	v1 =	vadd.f32 v2, v1  }
0xfd: {  	p0 =	sne.s32 s13, s7  }
.Ltmp2:
0xfe: {  	[tilespmem:$0x4700] =	vst v1;
	(pc) =	sbr.rel @p0 .LBB2_1-.Ltmp2, $4  }
0xff: {  	[hbm4b:s6+s2] =	stream.linear.scatter [tilespmem:s12], [sflag:$0x1], $0x80, $0x38;
	[tilespmem:$0x4780] =	vst v63  }
0x100: {  	_ =	swait.ge [sflag:s10], $0x80  }
0x101: {  	[sflag:s10] =	ssyncset.done $0x0  }
0x102: {  	[sflag:s10] =	ssyncadd.s32 $0xFFFFFF80  }
0x103: {  	_ =	sfence.sel $0x180000  }
0x104: {  	[bflag:$0x0] =	sbarrier.arrive $0xFFFF  }
0x105: {  	p0 =	sne.s32 s1, $0x0;
	_ =	strace $0x90000047  }
0x106: {  	s0 =	sadd.s32 @!p0 $0x100000, s0;
	[bflag:$0x2] =	sbarrier.arrive $0xFFFF  }
0x107: {  	[sflag:s0] =	ssyncadd.tile.s32 @!p0 $0x1;
	_ =	shalt  }
.Lfunc_end2:
_tile_overlayer_lowered:
.L_overlay_start_2:
0x108: {  	(tag) =	ssettag $0x2  }
0x109: {  	s0 =	rddreg [dreg:$0x0];
	s2 =	stileid.u32  }
0x10a: {  	s1 =	rddreg [dreg:$0x1];
	p0 =	sne.s32 s2, $0x0  }
0x10b: {  	s3 =	rddreg [dreg:$0x2];
	[bflag:$0x3] =	sbarrier.arrive $0xFFFF;
	s2 =	simm.s32 @!p0 $0x1C01  }
0x10c: {  	[timem:s3], [sflag:s2] =	dma.local @!p0 [hbm:s0], s1  }
0x10d: {  	s0 =	simm.s32 @!p0 $0x1  }
0x10e: {  	_ =	swait.ge @!p0 [sflag:s0], s1  }
0x10f: {  	s1 =	ssub.s32 @!p0 $0x0, s1;
	[sflag:s0] =	ssyncset.done @!p0 $0x0  }
0x110: {  	[sflag:s0] =	ssyncadd.s32 @!p0 s1  }
0x111: {  	[bflag:$0x3] =	sbarrier.arrive $0xFFFF  }
0x112: {  	_ =	shalt  }

</sc_bundles>
